<compile_context>
chip_gen: v7x
topology: tpu7x:2x2x1
jax: 0.10.2.dev20260603
libtpu: 0.0.44.dev20260713+nightly
codegen_flags: <defaults>
</compile_context>

<pallas_src>
import functools

import jax
import jax.numpy as jnp
from jax import lax
from jax.experimental import pallas as pl
from jax.experimental.pallas import tpu as pltpu
from jax.experimental.pallas import tpu_sc as plsc

N = 10000
E = 320000
D = 128
NP = 10240
NC = 2
NS = 16
NW = NC * NS
CH = 128
NCHK = 80
HALF = NCHK // 2
EP = NW * CH * NCHK
RPT = NP // NS
BLK = 1024
EB = 4000

_f32 = jnp.float32
_bf16 = jnp.bfloat16
_i32 = jnp.int32



def _linear_body(x_ref, w_ref, b_ref, o_ref):
    o_ref[...] = jnp.dot(x_ref[...], w_ref[...],
                         preferred_element_type=_f32) + b_ref[...]


_linear = pl.pallas_call(
    _linear_body,
    grid=(NP // BLK,),
    in_specs=[
        pl.BlockSpec((BLK, D), lambda i: (i, 0)),
        pl.BlockSpec((D, D), lambda i: (0, 0)),
        pl.BlockSpec((1, D), lambda i: (0, 0)),
    ],
    out_specs=pl.BlockSpec((BLK, D), lambda i: (i, 0)),
    out_shape=jax.ShapeDtypeStruct((NP, D), _f32),
)


def _counts_body(dst_ref, o_ref):
    d = dst_ref[...]
    hrow = lax.broadcasted_iota(_i32, (1, NP // D), 1)
    col = lax.broadcasted_iota(_i32, (1, D), 1)
    u = (lax.shift_right_logical(d, 7) == hrow).astype(_bf16)
    v = ((d & 127) == col).astype(_bf16)
    blk_counts = lax.dot_general(u, v, (((0,), (0,)), ((), ())),
                                 preferred_element_type=_f32)

    @pl.when(pl.program_id(0) == 0)
    def _():
        o_ref[...] = jnp.zeros_like(o_ref)

    o_ref[...] += blk_counts


_counts = pl.pallas_call(
    _counts_body,
    grid=(E // EB,),
    in_specs=[pl.BlockSpec((EB, 1), lambda i: (i, 0))],
    out_specs=pl.BlockSpec((NP // D, D), lambda i: (0, 0)),
    out_shape=jax.ShapeDtypeStruct((NP // D, D), _f32),
)


def _merge_linear_body(acc_ref, cnt_ref, xt_ref, w_ref, b_ref, o_ref):
    s = acc_ref[0] + acc_ref[1]
    h = jnp.maximum(s / jnp.maximum(cnt_ref[...], 1.0), 0.0) + xt_ref[...]
    o_ref[...] = jnp.dot(h, w_ref[...], preferred_element_type=_f32) + b_ref[...]


_merge_linear = pl.pallas_call(
    _merge_linear_body,
    grid=(NP // BLK,),
    in_specs=[
        pl.BlockSpec((NC, BLK, D), lambda i: (0, i, 0)),
        pl.BlockSpec((BLK, 1), lambda i: (i, 0)),
        pl.BlockSpec((BLK, D), lambda i: (i, 0)),
        pl.BlockSpec((D, D), lambda i: (0, 0)),
        pl.BlockSpec((1, D), lambda i: (0, 0)),
    ],
    out_specs=pl.BlockSpec((BLK, D), lambda i: (i, 0)),
    out_shape=jax.ShapeDtypeStruct((NP, D), _f32),
)


def _merge_body(acc_ref, cnt_ref, xt_ref, o_ref):
    s = acc_ref[0] + acc_ref[1]
    o_ref[...] = jnp.maximum(s / jnp.maximum(cnt_ref[...], 1.0), 0.0) + xt_ref[...]


_merge = pl.pallas_call(
    _merge_body,
    grid=(NP // BLK,),
    in_specs=[
        pl.BlockSpec((NC, BLK, D), lambda i: (0, i, 0)),
        pl.BlockSpec((BLK, 1), lambda i: (i, 0)),
        pl.BlockSpec((BLK, D), lambda i: (i, 0)),
    ],
    out_specs=pl.BlockSpec((BLK, D), lambda i: (i, 0)),
    out_shape=jax.ShapeDtypeStruct((NP, D), _f32),
)



_mesh = plsc.VectorSubcoreMesh(core_axis_name="c", subcore_axis_name="s",
                               num_cores=NC, num_subcores=NS)


@functools.partial(
    pl.kernel,
    out_type=jax.ShapeDtypeStruct((NC, NP, D), _f32),
    mesh=_mesh,
    scratch_types=[
        pltpu.VMEM((HALF, CH), _i32),
        pltpu.VMEM((HALF, CH), _i32),
        pltpu.VMEM((2, CH, D), _f32),
        pltpu.VMEM_SHARED((NP, D), _f32),
        pltpu.SemaphoreType.DMA,
        pltpu.SemaphoreType.DMA,
    ],
)
def _sc_aggregate(xt_hbm, src_hbm, dst_hbm, zero_hbm, out_hbm,
                  sidx, didx, gbuf, acc, gsem0, gsem1):
    cid = lax.axis_index("c")
    sid = lax.axis_index("s")
    wid = sid * NC + cid
    rows = pl.ds(sid * RPT, RPT)
    pltpu.sync_copy(zero_hbm.at[rows], acc.at[rows])
    plsc.subcore_barrier()

    for h in range(2):
        pltpu.sync_copy(src_hbm.at[wid, h], sidx)
        pltpu.sync_copy(dst_hbm.at[wid, h], didx)

        @pl.loop(0, HALF, step=2)
        def _(j):
            g0 = pltpu.async_copy(xt_hbm.at[sidx.at[j]], gbuf.at[0], gsem0)
            g1 = pltpu.async_copy(xt_hbm.at[sidx.at[j + 1]], gbuf.at[1], gsem1)
            g0.wait()
            pltpu.sync_copy(gbuf.at[0], acc.at[didx.at[j]], add=True)
            g1.wait()
            pltpu.sync_copy(gbuf.at[1], acc.at[didx.at[j + 1]], add=True)

    plsc.subcore_barrier()
    pltpu.sync_copy(acc.at[rows], out_hbm.at[cid, rows])



def kernel(x, edge_index, W0, b0, W1, b1):
    xp = jnp.zeros((NP, D), _f32).at[:N].set(x)
    src = edge_index[0].astype(_i32)
    dst = edge_index[1].astype(_i32)
    pad = jnp.arange(EP - E, dtype=_i32)
    src3 = jnp.concatenate([src, pad % N]).reshape(NW, 2, HALF, CH)
    dst3 = jnp.concatenate([dst, N + pad % (NP - N)]).reshape(NW, 2, HALF, CH)
    zeros_d = jnp.zeros((NP, D), _f32)
    w0t = W0.T
    w1t = W1.T
    b0r = b0.reshape(1, D)
    b1r = b1.reshape(1, D)

    cnt = _counts(dst.reshape(E, 1)).reshape(NP, 1)
    xt0 = _linear(xp, w0t, b0r)
    acc0 = _sc_aggregate(xt0, src3, dst3, zeros_d)
    xt1 = _merge_linear(acc0, cnt, xt0, w1t, b1r)
    acc1 = _sc_aggregate(xt1, src3, dst3, zeros_d)
    out = _merge(acc1, cnt, xt1)
    return out[:N]

# --- scband reference (transcript-rebuilt; emitter-appended) ---
"""Pipeline reference for scband-gcn-84189948936514 (READ-ONLY COPY).

The authoritative reference and input builder live on the scoring server;
editing this copy changes nothing except your own understanding.
"""

import jax, jax.numpy as jnp
import numpy as np

N_NODES = 10000
N_EDGES = 320000
D = 128

def setup_inputs(seed: int = 0) -> dict:
    key = jax.random.key(seed)
    ks = jax.random.split(key, 8)
    x = jax.random.normal(ks[0], (N_NODES, D), dtype=jnp.float32)
    edge_index = jax.random.randint(ks[1], (2, N_EDGES), 0, N_NODES, dtype=jnp.int64)
    # Layer 0: Linear(128 -> 128)
    W0 = jax.random.normal(ks[2], (D, D), dtype=jnp.float32) * (1.0 / np.sqrt(D))
    b0 = jax.random.normal(ks[3], (D,), dtype=jnp.float32) * 0.01
    # Layer 1: Linear(128 -> 128)
    W1 = jax.random.normal(ks[4], (D, D), dtype=jnp.float32) * (1.0 / np.sqrt(D))
    b1 = jax.random.normal(ks[5], (D,), dtype=jnp.float32) * 0.01
    return {"x": x, "edge_index": edge_index, "W0": W0, "b0": b0, "W1": W1, "b1": b1}

def _gcn_layer(x, edge_index, W, b):
    # x_transformed = Linear(x)
    xt = x @ W.T + b
    src = edge_index[0]
    dst = edge_index[1]
    # message: x_j (gather from source nodes)
    msg = jnp.take(xt, src, axis=0)
    # aggr='mean': scatter-mean into destination nodes
    summed = jax.ops.segment_sum(msg, dst, num_segments=N_NODES)
    counts = jax.ops.segment_sum(jnp.ones((msg.shape[0],), dtype=xt.dtype), dst, num_segments=N_NODES)
    mean = summed / jnp.maximum(counts, 1.0)[:, None]
    out = jax.nn.relu(mean)
    out = out + xt
    return out

def reference(x, edge_index, W0, b0, W1, b1):
    h = _gcn_layer(x, edge_index, W0, b0)
    h = _gcn_layer(h, edge_index, W1, b1)
    return h

if __name__ == "__main__":
    import jax
    _d = setup_inputs()
    print(jax.jit(kernel)(*tuple(_d.values())))

</pallas_src>

<mosaic_0001>
#map = affine_map<(d0, d1) -> (0, 0)>
#map1 = affine_map<(d0, d1) -> (0, 0, 0, 0)>
#map2 = affine_map<(d0, d1) -> (0, 0, 0)>
module attributes {stable_mosaic.version = 14 : i64} {
  func.func @_sc_aggregate(%arg0: i32, %arg1: i32, %arg2: memref<10240x128xf32, #tpu.memory_space<hbm>>, %arg3: memref<32x2x40x128xi32, #tpu.memory_space<hbm>>, %arg4: memref<32x2x40x128xi32, #tpu.memory_space<hbm>>, %arg5: memref<10240x128xf32, #tpu.memory_space<hbm>>, %arg6: memref<2x10240x128xf32, #tpu.memory_space<hbm>>, %arg7: memref<40x128xi32, #tpu.memory_space<vmem>>, %arg8: memref<40x128xi32, #tpu.memory_space<vmem>>, %arg9: memref<2x128x128xf32, #tpu.memory_space<vmem>>, %arg10: memref<10240x128xf32, #tpu.memory_space<vmem_shared>>, %arg11: memref<!tpu.dma_semaphore, #tpu.memory_space<semaphore_mem>>, %arg12: memref<!tpu.dma_semaphore, #tpu.memory_space<semaphore_mem>>) attributes {dimension_semantics = [#tpu.dimension_semantics<core_parallel>, #tpu.dimension_semantics<subcore_parallel>], iteration_bounds = array<i64: 2, 16>, scalar_prefetch = 0 : i64, scratch_operands = 6 : i64, tpu.core_type = #tpu.core_type<sc_vector_subcore>, window_params = [{transform_indices = #map}, {transform_indices = #map1}, {transform_indices = #map1}, {transform_indices = #map}, {transform_indices = #map2}]} {
    %mul3A = arith.constant 2 : i32
    %mul3A_0 = arith.muli %arg1, %mul3A : i32
    %add3A = arith.addi %mul3A_0, %arg0 : i32
    %mul3A_1 = arith.constant 640 : i32
    %mul3A_2 = arith.muli %arg1, %mul3A_1 : i32
    "tpu.region"() ({
      %run_scoped3A_16 = tpu.sem_alloc : memref<!tpu.dma_semaphore, #tpu.memory_space<semaphore_mem>>
      %dma_start3A = arith.constant 0 : i32
      %dma_start3A_17 = tpu.memref_slice %arg10[%mul3A_2, %dma_start3A] : memref<10240x128xf32, #tpu.memory_space<vmem_shared>> -> memref<640x128xf32, #tpu.memory_space<vmem_shared>>
      %dma_start3A_18 = arith.constant 0 : i32
      %dma_start3A_19 = tpu.memref_slice %arg5[%mul3A_2, %dma_start3A_18] : memref<10240x128xf32, #tpu.memory_space<hbm>> -> memref<640x128xf32, #tpu.memory_space<hbm>>
      tpu.enqueue_dma source(%dma_start3A_19 : memref<640x128xf32, #tpu.memory_space<hbm>>) target(%dma_start3A_17 : memref<640x128xf32, #tpu.memory_space<vmem_shared>>) target_semaphore(%run_scoped3A_16 : memref<!tpu.dma_semaphore, #tpu.memory_space<semaphore_mem>>)
      %dma_wait3A = arith.constant 0 : i32
      %dma_wait3A_20 = tpu.memref_slice %arg10[%mul3A_2, %dma_wait3A] : memref<10240x128xf32, #tpu.memory_space<vmem_shared>> -> memref<640x128xf32, #tpu.memory_space<vmem_shared>>
      %dma_wait3A_21 = arith.constant 0 : i32
      %dma_wait3A_22 = tpu.memref_slice %arg5[%mul3A_2, %dma_wait3A_21] : memref<10240x128xf32, #tpu.memory_space<hbm>> -> memref<640x128xf32, #tpu.memory_space<hbm>>
      tpu.wait_dma2 semaphore(%run_scoped3A_16 : memref<!tpu.dma_semaphore, #tpu.memory_space<semaphore_mem>>) src(%dma_wait3A_22 : memref<640x128xf32, #tpu.memory_space<hbm>>) dst(%dma_wait3A_20 : memref<640x128xf32, #tpu.memory_space<vmem_shared>>)
      tpu.yield
    }) : () -> ()
    %barrier3A = arith.constant 0 : index
    tpu.barrier barrier_id(%barrier3A)
    %run_scoped3A = arith.constant 0 : i32
    "tpu.region"() ({
      %run_scoped3A_16 = tpu.sem_alloc : memref<!tpu.dma_semaphore, #tpu.memory_space<semaphore_mem>>
      %dma_start3A = arith.constant 0 : i32
      %dma_start3A_17 = arith.constant 0 : i32
      %dma_start3A_18 = tpu.memref_slice %arg3[%add3A, %run_scoped3A, %dma_start3A, %dma_start3A_17] : memref<32x2x40x128xi32, #tpu.memory_space<hbm>> -> memref<1x1x40x128xi32, #tpu.memory_space<hbm>>
      %dma_start3A_19 = tpu.memref_squeeze %dma_start3A_18 : memref<1x1x40x128xi32, #tpu.memory_space<hbm>> -> memref<40x128xi32, #tpu.memory_space<hbm>>
      %dma_start3A_20 = arith.constant 0 : i32
      %dma_start3A_21 = arith.constant 0 : i32
      %dma_start3A_22 = tpu.memref_slice %arg3[%add3A, %run_scoped3A, %dma_start3A_20, %dma_start3A_21] : memref<32x2x40x128xi32, #tpu.memory_space<hbm>> -> memref<1x1x40x128xi32, #tpu.memory_space<hbm>>
      %dma_start3A_23 = tpu.memref_squeeze %dma_start3A_22 : memref<1x1x40x128xi32, #tpu.memory_space<hbm>> -> memref<40x128xi32, #tpu.memory_space<hbm>>
      tpu.enqueue_dma source(%dma_start3A_23 : memref<40x128xi32, #tpu.memory_space<hbm>>) target(%arg7 : memref<40x128xi32, #tpu.memory_space<vmem>>) target_semaphore(%run_scoped3A_16 : memref<!tpu.dma_semaphore, #tpu.memory_space<semaphore_mem>>)
      %dma_wait3A = arith.constant 0 : i32
      %dma_wait3A_24 = arith.constant 0 : i32
      %dma_wait3A_25 = tpu.memref_slice %arg3[%add3A, %run_scoped3A, %dma_wait3A, %dma_wait3A_24] : memref<32x2x40x128xi32, #tpu.memory_space<hbm>> -> memref<1x1x40x128xi32, #tpu.memory_space<hbm>>
      %dma_wait3A_26 = tpu.memref_squeeze %dma_wait3A_25 : memref<1x1x40x128xi32, #tpu.memory_space<hbm>> -> memref<40x128xi32, #tpu.memory_space<hbm>>
      %dma_wait3A_27 = arith.constant 0 : i32
      %dma_wait3A_28 = arith.constant 0 : i32
      %dma_wait3A_29 = tpu.memref_slice %arg3[%add3A, %run_scoped3A, %dma_wait3A_27, %dma_wait3A_28] : memref<32x2x40x128xi32, #tpu.memory_space<hbm>> -> memref<1x1x40x128xi32, #tpu.memory_space<hbm>>
      %dma_wait3A_30 = tpu.memref_squeeze %dma_wait3A_29 : memref<1x1x40x128xi32, #tpu.memory_space<hbm>> -> memref<40x128xi32, #tpu.memory_space<hbm>>
      tpu.wait_dma2 semaphore(%run_scoped3A_16 : memref<!tpu.dma_semaphore, #tpu.memory_space<semaphore_mem>>) src(%dma_wait3A_30 : memref<40x128xi32, #tpu.memory_space<hbm>>) dst(%arg7 : memref<40x128xi32, #tpu.memory_space<vmem>>)
      tpu.yield
    }) : () -> ()
    %run_scoped3A_3 = arith.constant 0 : i32
    "tpu.region"() ({
      %run_scoped3A_16 = tpu.sem_alloc : memref<!tpu.dma_semaphore, #tpu.memory_space<semaphore_mem>>
      %dma_start3A = arith.constant 0 : i32
      %dma_start3A_17 = arith.constant 0 : i32
      %dma_start3A_18 = tpu.memref_slice %arg4[%add3A, %run_scoped3A_3, %dma_start3A, %dma_start3A_17] : memref<32x2x40x128xi32, #tpu.memory_space<hbm>> -> memref<1x1x40x128xi32, #tpu.memory_space<hbm>>
      %dma_start3A_19 = tpu.memref_squeeze %dma_start3A_18 : memref<1x1x40x128xi32, #tpu.memory_space<hbm>> -> memref<40x128xi32, #tpu.memory_space<hbm>>
      %dma_start3A_20 = arith.constant 0 : i32
      %dma_start3A_21 = arith.constant 0 : i32
      %dma_start3A_22 = tpu.memref_slice %arg4[%add3A, %run_scoped3A_3, %dma_start3A_20, %dma_start3A_21] : memref<32x2x40x128xi32, #tpu.memory_space<hbm>> -> memref<1x1x40x128xi32, #tpu.memory_space<hbm>>
      %dma_start3A_23 = tpu.memref_squeeze %dma_start3A_22 : memref<1x1x40x128xi32, #tpu.memory_space<hbm>> -> memref<40x128xi32, #tpu.memory_space<hbm>>
      tpu.enqueue_dma source(%dma_start3A_23 : memref<40x128xi32, #tpu.memory_space<hbm>>) target(%arg8 : memref<40x128xi32, #tpu.memory_space<vmem>>) target_semaphore(%run_scoped3A_16 : memref<!tpu.dma_semaphore, #tpu.memory_space<semaphore_mem>>)
      %dma_wait3A = arith.constant 0 : i32
      %dma_wait3A_24 = arith.constant 0 : i32
      %dma_wait3A_25 = tpu.memref_slice %arg4[%add3A, %run_scoped3A_3, %dma_wait3A, %dma_wait3A_24] : memref<32x2x40x128xi32, #tpu.memory_space<hbm>> -> memref<1x1x40x128xi32, #tpu.memory_space<hbm>>
      %dma_wait3A_26 = tpu.memref_squeeze %dma_wait3A_25 : memref<1x1x40x128xi32, #tpu.memory_space<hbm>> -> memref<40x128xi32, #tpu.memory_space<hbm>>
      %dma_wait3A_27 = arith.constant 0 : i32
      %dma_wait3A_28 = arith.constant 0 : i32
      %dma_wait3A_29 = tpu.memref_slice %arg4[%add3A, %run_scoped3A_3, %dma_wait3A_27, %dma_wait3A_28] : memref<32x2x40x128xi32, #tpu.memory_space<hbm>> -> memref<1x1x40x128xi32, #tpu.memory_space<hbm>>
      %dma_wait3A_30 = tpu.memref_squeeze %dma_wait3A_29 : memref<1x1x40x128xi32, #tpu.memory_space<hbm>> -> memref<40x128xi32, #tpu.memory_space<hbm>>
      tpu.wait_dma2 semaphore(%run_scoped3A_16 : memref<!tpu.dma_semaphore, #tpu.memory_space<semaphore_mem>>) src(%dma_wait3A_30 : memref<40x128xi32, #tpu.memory_space<hbm>>) dst(%arg8 : memref<40x128xi32, #tpu.memory_space<vmem>>)
      tpu.yield
    }) : () -> ()
    %scan3A = arith.constant 0 : i32
    %scan3A_4 = arith.constant 20 : i32
    %scan3A_5 = arith.addi %scan3A, %scan3A_4 : i32
    %scan3A_6 = arith.constant 1 : i32
    scf.for %scan3A_16 = %scan3A to %scan3A_5 step %scan3A_6  : i32 {
      %mul3A_17 = arith.constant 2 : i32
      %mul3A_18 = arith.muli %scan3A_16, %mul3A_17 : i32
      %add3A_19 = arith.constant 0 : i32
      %add3A_20 = arith.addi %add3A_19, %mul3A_18 : i32
      %dma_start3A = arith.constant 0 : i32
      %dma_start3A_21 = arith.constant 0 : i32
      %dma_start3A_22 = arith.constant 0 : i32
      %dma_start3A_23 = tpu.memref_slice %arg9[%dma_start3A, %dma_start3A_21, %dma_start3A_22] : memref<2x128x128xf32, #tpu.memory_space<vmem>> -> memref<1x128x128xf32, #tpu.memory_space<vmem>>
      %dma_start3A_24 = tpu.memref_squeeze %dma_start3A_23 : memref<1x128x128xf32, #tpu.memory_space<vmem>> -> memref<128x128xf32, #tpu.memory_space<vmem>>
      %dma_start3A_25 = arith.constant 0 : i32
      %dma_start3A_26 = tpu.memref_slice %arg7[%add3A_20, %dma_start3A_25] : memref<40x128xi32, #tpu.memory_space<vmem>> -> memref<1x128xi32, #tpu.memory_space<vmem>>
      %dma_start3A_27 = tpu.memref_squeeze %dma_start3A_26 : memref<1x128xi32, #tpu.memory_space<vmem>> -> memref<128xi32, #tpu.memory_space<vmem>>
      %dma_start3A_28 = arith.constant 0 : i32
      %dma_start3A_29 = arith.constant 0 : i32
      %dma_start3A_30 = tpu.memref_slice %arg2[%dma_start3A_28, %dma_start3A_29] : memref<10240x128xf32, #tpu.memory_space<hbm>> -> memref<10240x128xf32, #tpu.memory_space<hbm>>
      tpu.enqueue_indirect_dma source(%dma_start3A_30 : memref<10240x128xf32, #tpu.memory_space<hbm>>) target(%dma_start3A_24 : memref<128x128xf32, #tpu.memory_space<vmem>>) offsets(%dma_start3A_27 : memref<128xi32, #tpu.memory_space<vmem>>) semaphore(%arg11 : memref<!tpu.dma_semaphore, #tpu.memory_space<semaphore_mem>>)
      %add3A_31 = arith.constant 1 : i32
      %add3A_32 = arith.addi %add3A_20, %add3A_31 : i32
      %dma_start3A_33 = arith.constant 1 : i32
      %dma_start3A_34 = arith.constant 0 : i32
      %dma_start3A_35 = arith.constant 0 : i32
      %dma_start3A_36 = tpu.memref_slice %arg9[%dma_start3A_33, %dma_start3A_34, %dma_start3A_35] : memref<2x128x128xf32, #tpu.memory_space<vmem>> -> memref<1x128x128xf32, #tpu.memory_space<vmem>>
      %dma_start3A_37 = tpu.memref_squeeze %dma_start3A_36 : memref<1x128x128xf32, #tpu.memory_space<vmem>> -> memref<128x128xf32, #tpu.memory_space<vmem>>
      %dma_start3A_38 = arith.constant 0 : i32
      %dma_start3A_39 = tpu.memref_slice %arg7[%add3A_32, %dma_start3A_38] : memref<40x128xi32, #tpu.memory_space<vmem>> -> memref<1x128xi32, #tpu.memory_space<vmem>>
      %dma_start3A_40 = tpu.memref_squeeze %dma_start3A_39 : memref<1x128xi32, #tpu.memory_space<vmem>> -> memref<128xi32, #tpu.memory_space<vmem>>
      %dma_start3A_41 = arith.constant 0 : i32
      %dma_start3A_42 = arith.constant 0 : i32
      %dma_start3A_43 = tpu.memref_slice %arg2[%dma_start3A_41, %dma_start3A_42] : memref<10240x128xf32, #tpu.memory_space<hbm>> -> memref<10240x128xf32, #tpu.memory_space<hbm>>
      tpu.enqueue_indirect_dma source(%dma_start3A_43 : memref<10240x128xf32, #tpu.memory_space<hbm>>) target(%dma_start3A_37 : memref<128x128xf32, #tpu.memory_space<vmem>>) offsets(%dma_start3A_40 : memref<128xi32, #tpu.memory_space<vmem>>) semaphore(%arg12 : memref<!tpu.dma_semaphore, #tpu.memory_space<semaphore_mem>>)
      %dma_wait3A = arith.constant 0 : i32
      %dma_wait3A_44 = arith.constant 0 : i32
      %dma_wait3A_45 = arith.constant 0 : i32
      %dma_wait3A_46 = tpu.memref_slice %arg9[%dma_wait3A, %dma_wait3A_44, %dma_wait3A_45] : memref<2x128x128xf32, #tpu.memory_space<vmem>> -> memref<1x128x128xf32, #tpu.memory_space<vmem>>
      %dma_wait3A_47 = tpu.memref_squeeze %dma_wait3A_46 : memref<1x128x128xf32, #tpu.memory_space<vmem>> -> memref<128x128xf32, #tpu.memory_space<vmem>>
      %dma_wait3A_48 = arith.constant 0 : i32
      %dma_wait3A_49 = tpu.memref_slice %arg7[%add3A_20, %dma_wait3A_48] : memref<40x128xi32, #tpu.memory_space<vmem>> -> memref<1x128xi32, #tpu.memory_space<vmem>>
      %dma_wait3A_50 = tpu.memref_squeeze %dma_wait3A_49 : memref<1x128xi32, #tpu.memory_space<vmem>> -> memref<128xi32, #tpu.memory_space<vmem>>
      %dma_wait3A_51 = arith.constant 0 : i32
      %dma_wait3A_52 = arith.constant 0 : i32
      %dma_wait3A_53 = tpu.memref_slice %arg2[%dma_wait3A_51, %dma_wait3A_52] : memref<10240x128xf32, #tpu.memory_space<hbm>> -> memref<10240x128xf32, #tpu.memory_space<hbm>>
      tpu.wait_indirect_dma semaphore(%arg11 : memref<!tpu.dma_semaphore, #tpu.memory_space<semaphore_mem>>) src(%dma_wait3A_53 : memref<10240x128xf32, #tpu.memory_space<hbm>>) dst(%dma_wait3A_47 : memref<128x128xf32, #tpu.memory_space<vmem>>)
      %run_scoped3A_54 = arith.constant 0 : i32
      "tpu.region"() ({
        %run_scoped3A_69 = tpu.sem_alloc : memref<!tpu.dma_semaphore, #tpu.memory_space<semaphore_mem>>
        %dma_start3A_70 = arith.constant 0 : i32
        %dma_start3A_71 = arith.constant 0 : i32
        %dma_start3A_72 = tpu.memref_slice %arg9[%run_scoped3A_54, %dma_start3A_70, %dma_start3A_71] : memref<2x128x128xf32, #tpu.memory_space<vmem>> -> memref<1x128x128xf32, #tpu.memory_space<vmem>>
        %dma_start3A_73 = tpu.memref_squeeze %dma_start3A_72 : memref<1x128x128xf32, #tpu.memory_space<vmem>> -> memref<128x128xf32, #tpu.memory_space<vmem>>
        %dma_start3A_74 = arith.constant 0 : i32
        %dma_start3A_75 = tpu.memref_slice %arg8[%add3A_20, %dma_start3A_74] : memref<40x128xi32, #tpu.memory_space<vmem>> -> memref<1x128xi32, #tpu.memory_space<vmem>>
        %dma_start3A_76 = tpu.memref_squeeze %dma_start3A_75 : memref<1x128xi32, #tpu.memory_space<vmem>> -> memref<128xi32, #tpu.memory_space<vmem>>
        %dma_start3A_77 = arith.constant 0 : i32
        %dma_start3A_78 = arith.constant 0 : i32
        %dma_start3A_79 = tpu.memref_slice %arg10[%dma_start3A_77, %dma_start3A_78] : memref<10240x128xf32, #tpu.memory_space<vmem_shared>> -> memref<10240x128xf32, #tpu.memory_space<vmem_shared>>
        tpu.enqueue_indirect_dma source(%dma_start3A_73 : memref<128x128xf32, #tpu.memory_space<vmem>>) target(%dma_start3A_79 : memref<10240x128xf32, #tpu.memory_space<vmem_shared>>) offsets(%dma_start3A_76 : memref<128xi32, #tpu.memory_space<vmem>>) semaphore(%run_scoped3A_69 : memref<!tpu.dma_semaphore, #tpu.memory_space<semaphore_mem>>) {add = true}
        %dma_wait3A_80 = arith.constant 0 : i32
        %dma_wait3A_81 = arith.constant 0 : i32
        %dma_wait3A_82 = tpu.memref_slice %arg9[%run_scoped3A_54, %dma_wait3A_80, %dma_wait3A_81] : memref<2x128x128xf32, #tpu.memory_space<vmem>> -> memref<1x128x128xf32, #tpu.memory_space<vmem>>
        %dma_wait3A_83 = tpu.memref_squeeze %dma_wait3A_82 : memref<1x128x128xf32, #tpu.memory_space<vmem>> -> memref<128x128xf32, #tpu.memory_space<vmem>>
        %dma_wait3A_84 = arith.constant 0 : i32
        %dma_wait3A_85 = tpu.memref_slice %arg8[%add3A_20, %dma_wait3A_84] : memref<40x128xi32, #tpu.memory_space<vmem>> -> memref<1x128xi32, #tpu.memory_space<vmem>>
        %dma_wait3A_86 = tpu.memref_squeeze %dma_wait3A_85 : memref<1x128xi32, #tpu.memory_space<vmem>> -> memref<128xi32, #tpu.memory_space<vmem>>
        %dma_wait3A_87 = arith.constant 0 : i32
        %dma_wait3A_88 = arith.constant 0 : i32
        %dma_wait3A_89 = tpu.memref_slice %arg10[%dma_wait3A_87, %dma_wait3A_88] : memref<10240x128xf32, #tpu.memory_space<vmem_shared>> -> memref<10240x128xf32, #tpu.memory_space<vmem_shared>>
        tpu.wait_indirect_dma semaphore(%run_scoped3A_69 : memref<!tpu.dma_semaphore, #tpu.memory_space<semaphore_mem>>) src(%dma_wait3A_83 : memref<128x128xf32, #tpu.memory_space<vmem>>) dst(%dma_wait3A_89 : memref<10240x128xf32, #tpu.memory_space<vmem_shared>>)
        tpu.yield
      }) : () -> ()
      %dma_wait3A_55 = arith.constant 1 : i32
      %dma_wait3A_56 = arith.constant 0 : i32
      %dma_wait3A_57 = arith.constant 0 : i32
      %dma_wait3A_58 = tpu.memref_slice %arg9[%dma_wait3A_55, %dma_wait3A_56, %dma_wait3A_57] : memref<2x128x128xf32, #tpu.memory_space<vmem>> -> memref<1x128x128xf32, #tpu.memory_space<vmem>>
      %dma_wait3A_59 = tpu.memref_squeeze %dma_wait3A_58 : memref<1x128x128xf32, #tpu.memory_space<vmem>> -> memref<128x128xf32, #tpu.memory_space<vmem>>
      %dma_wait3A_60 = arith.constant 0 : i32
      %dma_wait3A_61 = tpu.memref_slice %arg7[%add3A_32, %dma_wait3A_60] : memref<40x128xi32, #tpu.memory_space<vmem>> -> memref<1x128xi32, #tpu.memory_space<vmem>>
      %dma_wait3A_62 = tpu.memref_squeeze %dma_wait3A_61 : memref<1x128xi32, #tpu.memory_space<vmem>> -> memref<128xi32, #tpu.memory_space<vmem>>
      %dma_wait3A_63 = arith.constant 0 : i32
      %dma_wait3A_64 = arith.constant 0 : i32
      %dma_wait3A_65 = tpu.memref_slice %arg2[%dma_wait3A_63, %dma_wait3A_64] : memref<10240x128xf32, #tpu.memory_space<hbm>> -> memref<10240x128xf32, #tpu.memory_space<hbm>>
      tpu.wait_indirect_dma semaphore(%arg12 : memref<!tpu.dma_semaphore, #tpu.memory_space<semaphore_mem>>) src(%dma_wait3A_65 : memref<10240x128xf32, #tpu.memory_space<hbm>>) dst(%dma_wait3A_59 : memref<128x128xf32, #tpu.memory_space<vmem>>)
      %add3A_66 = arith.constant 1 : i32
      %add3A_67 = arith.addi %add3A_20, %add3A_66 : i32
      %run_scoped3A_68 = arith.constant 1 : i32
      "tpu.region"() ({
        %run_scoped3A_69 = tpu.sem_alloc : memref<!tpu.dma_semaphore, #tpu.memory_space<semaphore_mem>>
        %dma_start3A_70 = arith.constant 0 : i32
        %dma_start3A_71 = arith.constant 0 : i32
        %dma_start3A_72 = tpu.memref_slice %arg9[%run_scoped3A_68, %dma_start3A_70, %dma_start3A_71] : memref<2x128x128xf32, #tpu.memory_space<vmem>> -> memref<1x128x128xf32, #tpu.memory_space<vmem>>
        %dma_start3A_73 = tpu.memref_squeeze %dma_start3A_72 : memref<1x128x128xf32, #tpu.memory_space<vmem>> -> memref<128x128xf32, #tpu.memory_space<vmem>>
        %dma_start3A_74 = arith.constant 0 : i32
        %dma_start3A_75 = tpu.memref_slice %arg8[%add3A_67, %dma_start3A_74] : memref<40x128xi32, #tpu.memory_space<vmem>> -> memref<1x128xi32, #tpu.memory_space<vmem>>
        %dma_start3A_76 = tpu.memref_squeeze %dma_start3A_75 : memref<1x128xi32, #tpu.memory_space<vmem>> -> memref<128xi32, #tpu.memory_space<vmem>>
        %dma_start3A_77 = arith.constant 0 : i32
        %dma_start3A_78 = arith.constant 0 : i32
        %dma_start3A_79 = tpu.memref_slice %arg10[%dma_start3A_77, %dma_start3A_78] : memref<10240x128xf32, #tpu.memory_space<vmem_shared>> -> memref<10240x128xf32, #tpu.memory_space<vmem_shared>>
        tpu.enqueue_indirect_dma source(%dma_start3A_73 : memref<128x128xf32, #tpu.memory_space<vmem>>) target(%dma_start3A_79 : memref<10240x128xf32, #tpu.memory_space<vmem_shared>>) offsets(%dma_start3A_76 : memref<128xi32, #tpu.memory_space<vmem>>) semaphore(%run_scoped3A_69 : memref<!tpu.dma_semaphore, #tpu.memory_space<semaphore_mem>>) {add = true}
        %dma_wait3A_80 = arith.constant 0 : i32
        %dma_wait3A_81 = arith.constant 0 : i32
        %dma_wait3A_82 = tpu.memref_slice %arg9[%run_scoped3A_68, %dma_wait3A_80, %dma_wait3A_81] : memref<2x128x128xf32, #tpu.memory_space<vmem>> -> memref<1x128x128xf32, #tpu.memory_space<vmem>>
        %dma_wait3A_83 = tpu.memref_squeeze %dma_wait3A_82 : memref<1x128x128xf32, #tpu.memory_space<vmem>> -> memref<128x128xf32, #tpu.memory_space<vmem>>
        %dma_wait3A_84 = arith.constant 0 : i32
        %dma_wait3A_85 = tpu.memref_slice %arg8[%add3A_67, %dma_wait3A_84] : memref<40x128xi32, #tpu.memory_space<vmem>> -> memref<1x128xi32, #tpu.memory_space<vmem>>
        %dma_wait3A_86 = tpu.memref_squeeze %dma_wait3A_85 : memref<1x128xi32, #tpu.memory_space<vmem>> -> memref<128xi32, #tpu.memory_space<vmem>>
        %dma_wait3A_87 = arith.constant 0 : i32
        %dma_wait3A_88 = arith.constant 0 : i32
        %dma_wait3A_89 = tpu.memref_slice %arg10[%dma_wait3A_87, %dma_wait3A_88] : memref<10240x128xf32, #tpu.memory_space<vmem_shared>> -> memref<10240x128xf32, #tpu.memory_space<vmem_shared>>
        tpu.wait_indirect_dma semaphore(%run_scoped3A_69 : memref<!tpu.dma_semaphore, #tpu.memory_space<semaphore_mem>>) src(%dma_wait3A_83 : memref<128x128xf32, #tpu.memory_space<vmem>>) dst(%dma_wait3A_89 : memref<10240x128xf32, #tpu.memory_space<vmem_shared>>)
        tpu.yield
      }) : () -> ()
    }
    %scan3A_7 = arith.constant 20 : i32
    %run_scoped3A_8 = arith.constant 1 : i32
    "tpu.region"() ({
      %run_scoped3A_16 = tpu.sem_alloc : memref<!tpu.dma_semaphore, #tpu.memory_space<semaphore_mem>>
      %dma_start3A = arith.constant 0 : i32
      %dma_start3A_17 = arith.constant 0 : i32
      %dma_start3A_18 = tpu.memref_slice %arg3[%add3A, %run_scoped3A_8, %dma_start3A, %dma_start3A_17] : memref<32x2x40x128xi32, #tpu.memory_space<hbm>> -> memref<1x1x40x128xi32, #tpu.memory_space<hbm>>
      %dma_start3A_19 = tpu.memref_squeeze %dma_start3A_18 : memref<1x1x40x128xi32, #tpu.memory_space<hbm>> -> memref<40x128xi32, #tpu.memory_space<hbm>>
      %dma_start3A_20 = arith.constant 0 : i32
      %dma_start3A_21 = arith.constant 0 : i32
      %dma_start3A_22 = tpu.memref_slice %arg3[%add3A, %run_scoped3A_8, %dma_start3A_20, %dma_start3A_21] : memref<32x2x40x128xi32, #tpu.memory_space<hbm>> -> memref<1x1x40x128xi32, #tpu.memory_space<hbm>>
      %dma_start3A_23 = tpu.memref_squeeze %dma_start3A_22 : memref<1x1x40x128xi32, #tpu.memory_space<hbm>> -> memref<40x128xi32, #tpu.memory_space<hbm>>
      tpu.enqueue_dma source(%dma_start3A_23 : memref<40x128xi32, #tpu.memory_space<hbm>>) target(%arg7 : memref<40x128xi32, #tpu.memory_space<vmem>>) target_semaphore(%run_scoped3A_16 : memref<!tpu.dma_semaphore, #tpu.memory_space<semaphore_mem>>)
      %dma_wait3A = arith.constant 0 : i32
      %dma_wait3A_24 = arith.constant 0 : i32
      %dma_wait3A_25 = tpu.memref_slice %arg3[%add3A, %run_scoped3A_8, %dma_wait3A, %dma_wait3A_24] : memref<32x2x40x128xi32, #tpu.memory_space<hbm>> -> memref<1x1x40x128xi32, #tpu.memory_space<hbm>>
      %dma_wait3A_26 = tpu.memref_squeeze %dma_wait3A_25 : memref<1x1x40x128xi32, #tpu.memory_space<hbm>> -> memref<40x128xi32, #tpu.memory_space<hbm>>
      %dma_wait3A_27 = arith.constant 0 : i32
      %dma_wait3A_28 = arith.constant 0 : i32
      %dma_wait3A_29 = tpu.memref_slice %arg3[%add3A, %run_scoped3A_8, %dma_wait3A_27, %dma_wait3A_28] : memref<32x2x40x128xi32, #tpu.memory_space<hbm>> -> memref<1x1x40x128xi32, #tpu.memory_space<hbm>>
      %dma_wait3A_30 = tpu.memref_squeeze %dma_wait3A_29 : memref<1x1x40x128xi32, #tpu.memory_space<hbm>> -> memref<40x128xi32, #tpu.memory_space<hbm>>
      tpu.wait_dma2 semaphore(%run_scoped3A_16 : memref<!tpu.dma_semaphore, #tpu.memory_space<semaphore_mem>>) src(%dma_wait3A_30 : memref<40x128xi32, #tpu.memory_space<hbm>>) dst(%arg7 : memref<40x128xi32, #tpu.memory_space<vmem>>)
      tpu.yield
    }) : () -> ()
    %run_scoped3A_9 = arith.constant 1 : i32
    "tpu.region"() ({
      %run_scoped3A_16 = tpu.sem_alloc : memref<!tpu.dma_semaphore, #tpu.memory_space<semaphore_mem>>
      %dma_start3A = arith.constant 0 : i32
      %dma_start3A_17 = arith.constant 0 : i32
      %dma_start3A_18 = tpu.memref_slice %arg4[%add3A, %run_scoped3A_9, %dma_start3A, %dma_start3A_17] : memref<32x2x40x128xi32, #tpu.memory_space<hbm>> -> memref<1x1x40x128xi32, #tpu.memory_space<hbm>>
      %dma_start3A_19 = tpu.memref_squeeze %dma_start3A_18 : memref<1x1x40x128xi32, #tpu.memory_space<hbm>> -> memref<40x128xi32, #tpu.memory_space<hbm>>
      %dma_start3A_20 = arith.constant 0 : i32
      %dma_start3A_21 = arith.constant 0 : i32
      %dma_start3A_22 = tpu.memref_slice %arg4[%add3A, %run_scoped3A_9, %dma_start3A_20, %dma_start3A_21] : memref<32x2x40x128xi32, #tpu.memory_space<hbm>> -> memref<1x1x40x128xi32, #tpu.memory_space<hbm>>
      %dma_start3A_23 = tpu.memref_squeeze %dma_start3A_22 : memref<1x1x40x128xi32, #tpu.memory_space<hbm>> -> memref<40x128xi32, #tpu.memory_space<hbm>>
      tpu.enqueue_dma source(%dma_start3A_23 : memref<40x128xi32, #tpu.memory_space<hbm>>) target(%arg8 : memref<40x128xi32, #tpu.memory_space<vmem>>) target_semaphore(%run_scoped3A_16 : memref<!tpu.dma_semaphore, #tpu.memory_space<semaphore_mem>>)
      %dma_wait3A = arith.constant 0 : i32
      %dma_wait3A_24 = arith.constant 0 : i32
      %dma_wait3A_25 = tpu.memref_slice %arg4[%add3A, %run_scoped3A_9, %dma_wait3A, %dma_wait3A_24] : memref<32x2x40x128xi32, #tpu.memory_space<hbm>> -> memref<1x1x40x128xi32, #tpu.memory_space<hbm>>
      %dma_wait3A_26 = tpu.memref_squeeze %dma_wait3A_25 : memref<1x1x40x128xi32, #tpu.memory_space<hbm>> -> memref<40x128xi32, #tpu.memory_space<hbm>>
      %dma_wait3A_27 = arith.constant 0 : i32
      %dma_wait3A_28 = arith.constant 0 : i32
      %dma_wait3A_29 = tpu.memref_slice %arg4[%add3A, %run_scoped3A_9, %dma_wait3A_27, %dma_wait3A_28] : memref<32x2x40x128xi32, #tpu.memory_space<hbm>> -> memref<1x1x40x128xi32, #tpu.memory_space<hbm>>
      %dma_wait3A_30 = tpu.memref_squeeze %dma_wait3A_29 : memref<1x1x40x128xi32, #tpu.memory_space<hbm>> -> memref<40x128xi32, #tpu.memory_space<hbm>>
      tpu.wait_dma2 semaphore(%run_scoped3A_16 : memref<!tpu.dma_semaphore, #tpu.memory_space<semaphore_mem>>) src(%dma_wait3A_30 : memref<40x128xi32, #tpu.memory_space<hbm>>) dst(%arg8 : memref<40x128xi32, #tpu.memory_space<vmem>>)
      tpu.yield
    }) : () -> ()
    %scan3A_10 = arith.constant 0 : i32
    %scan3A_11 = arith.constant 20 : i32
    %scan3A_12 = arith.addi %scan3A_10, %scan3A_11 : i32
    %scan3A_13 = arith.constant 1 : i32
    scf.for %scan3A_16 = %scan3A_10 to %scan3A_12 step %scan3A_13  : i32 {
      %mul3A_17 = arith.constant 2 : i32
      %mul3A_18 = arith.muli %scan3A_16, %mul3A_17 : i32
      %add3A_19 = arith.constant 0 : i32
      %add3A_20 = arith.addi %add3A_19, %mul3A_18 : i32
      %dma_start3A = arith.constant 0 : i32
      %dma_start3A_21 = arith.constant 0 : i32
      %dma_start3A_22 = arith.constant 0 : i32
      %dma_start3A_23 = tpu.memref_slice %arg9[%dma_start3A, %dma_start3A_21, %dma_start3A_22] : memref<2x128x128xf32, #tpu.memory_space<vmem>> -> memref<1x128x128xf32, #tpu.memory_space<vmem>>
      %dma_start3A_24 = tpu.memref_squeeze %dma_start3A_23 : memref<1x128x128xf32, #tpu.memory_space<vmem>> -> memref<128x128xf32, #tpu.memory_space<vmem>>
      %dma_start3A_25 = arith.constant 0 : i32
      %dma_start3A_26 = tpu.memref_slice %arg7[%add3A_20, %dma_start3A_25] : memref<40x128xi32, #tpu.memory_space<vmem>> -> memref<1x128xi32, #tpu.memory_space<vmem>>
      %dma_start3A_27 = tpu.memref_squeeze %dma_start3A_26 : memref<1x128xi32, #tpu.memory_space<vmem>> -> memref<128xi32, #tpu.memory_space<vmem>>
      %dma_start3A_28 = arith.constant 0 : i32
      %dma_start3A_29 = arith.constant 0 : i32
      %dma_start3A_30 = tpu.memref_slice %arg2[%dma_start3A_28, %dma_start3A_29] : memref<10240x128xf32, #tpu.memory_space<hbm>> -> memref<10240x128xf32, #tpu.memory_space<hbm>>
      tpu.enqueue_indirect_dma source(%dma_start3A_30 : memref<10240x128xf32, #tpu.memory_space<hbm>>) target(%dma_start3A_24 : memref<128x128xf32, #tpu.memory_space<vmem>>) offsets(%dma_start3A_27 : memref<128xi32, #tpu.memory_space<vmem>>) semaphore(%arg11 : memref<!tpu.dma_semaphore, #tpu.memory_space<semaphore_mem>>)
      %add3A_31 = arith.constant 1 : i32
      %add3A_32 = arith.addi %add3A_20, %add3A_31 : i32
      %dma_start3A_33 = arith.constant 1 : i32
      %dma_start3A_34 = arith.constant 0 : i32
      %dma_start3A_35 = arith.constant 0 : i32
      %dma_start3A_36 = tpu.memref_slice %arg9[%dma_start3A_33, %dma_start3A_34, %dma_start3A_35] : memref<2x128x128xf32, #tpu.memory_space<vmem>> -> memref<1x128x128xf32, #tpu.memory_space<vmem>>
      %dma_start3A_37 = tpu.memref_squeeze %dma_start3A_36 : memref<1x128x128xf32, #tpu.memory_space<vmem>> -> memref<128x128xf32, #tpu.memory_space<vmem>>
      %dma_start3A_38 = arith.constant 0 : i32
      %dma_start3A_39 = tpu.memref_slice %arg7[%add3A_32, %dma_start3A_38] : memref<40x128xi32, #tpu.memory_space<vmem>> -> memref<1x128xi32, #tpu.memory_space<vmem>>
      %dma_start3A_40 = tpu.memref_squeeze %dma_start3A_39 : memref<1x128xi32, #tpu.memory_space<vmem>> -> memref<128xi32, #tpu.memory_space<vmem>>
      %dma_start3A_41 = arith.constant 0 : i32
      %dma_start3A_42 = arith.constant 0 : i32
      %dma_start3A_43 = tpu.memref_slice %arg2[%dma_start3A_41, %dma_start3A_42] : memref<10240x128xf32, #tpu.memory_space<hbm>> -> memref<10240x128xf32, #tpu.memory_space<hbm>>
      tpu.enqueue_indirect_dma source(%dma_start3A_43 : memref<10240x128xf32, #tpu.memory_space<hbm>>) target(%dma_start3A_37 : memref<128x128xf32, #tpu.memory_space<vmem>>) offsets(%dma_start3A_40 : memref<128xi32, #tpu.memory_space<vmem>>) semaphore(%arg12 : memref<!tpu.dma_semaphore, #tpu.memory_space<semaphore_mem>>)
      %dma_wait3A = arith.constant 0 : i32
      %dma_wait3A_44 = arith.constant 0 : i32
      %dma_wait3A_45 = arith.constant 0 : i32
      %dma_wait3A_46 = tpu.memref_slice %arg9[%dma_wait3A, %dma_wait3A_44, %dma_wait3A_45] : memref<2x128x128xf32, #tpu.memory_space<vmem>> -> memref<1x128x128xf32, #tpu.memory_space<vmem>>
      %dma_wait3A_47 = tpu.memref_squeeze %dma_wait3A_46 : memref<1x128x128xf32, #tpu.memory_space<vmem>> -> memref<128x128xf32, #tpu.memory_space<vmem>>
      %dma_wait3A_48 = arith.constant 0 : i32
      %dma_wait3A_49 = tpu.memref_slice %arg7[%add3A_20, %dma_wait3A_48] : memref<40x128xi32, #tpu.memory_space<vmem>> -> memref<1x128xi32, #tpu.memory_space<vmem>>
      %dma_wait3A_50 = tpu.memref_squeeze %dma_wait3A_49 : memref<1x128xi32, #tpu.memory_space<vmem>> -> memref<128xi32, #tpu.memory_space<vmem>>
      %dma_wait3A_51 = arith.constant 0 : i32
      %dma_wait3A_52 = arith.constant 0 : i32
      %dma_wait3A_53 = tpu.memref_slice %arg2[%dma_wait3A_51, %dma_wait3A_52] : memref<10240x128xf32, #tpu.memory_space<hbm>> -> memref<10240x128xf32, #tpu.memory_space<hbm>>
      tpu.wait_indirect_dma semaphore(%arg11 : memref<!tpu.dma_semaphore, #tpu.memory_space<semaphore_mem>>) src(%dma_wait3A_53 : memref<10240x128xf32, #tpu.memory_space<hbm>>) dst(%dma_wait3A_47 : memref<128x128xf32, #tpu.memory_space<vmem>>)
      %run_scoped3A_54 = arith.constant 0 : i32
      "tpu.region"() ({
        %run_scoped3A_69 = tpu.sem_alloc : memref<!tpu.dma_semaphore, #tpu.memory_space<semaphore_mem>>
        %dma_start3A_70 = arith.constant 0 : i32
        %dma_start3A_71 = arith.constant 0 : i32
        %dma_start3A_72 = tpu.memref_slice %arg9[%run_scoped3A_54, %dma_start3A_70, %dma_start3A_71] : memref<2x128x128xf32, #tpu.memory_space<vmem>> -> memref<1x128x128xf32, #tpu.memory_space<vmem>>
        %dma_start3A_73 = tpu.memref_squeeze %dma_start3A_72 : memref<1x128x128xf32, #tpu.memory_space<vmem>> -> memref<128x128xf32, #tpu.memory_space<vmem>>
        %dma_start3A_74 = arith.constant 0 : i32
        %dma_start3A_75 = tpu.memref_slice %arg8[%add3A_20, %dma_start3A_74] : memref<40x128xi32, #tpu.memory_space<vmem>> -> memref<1x128xi32, #tpu.memory_space<vmem>>
        %dma_start3A_76 = tpu.memref_squeeze %dma_start3A_75 : memref<1x128xi32, #tpu.memory_space<vmem>> -> memref<128xi32, #tpu.memory_space<vmem>>
        %dma_start3A_77 = arith.constant 0 : i32
        %dma_start3A_78 = arith.constant 0 : i32
        %dma_start3A_79 = tpu.memref_slice %arg10[%dma_start3A_77, %dma_start3A_78] : memref<10240x128xf32, #tpu.memory_space<vmem_shared>> -> memref<10240x128xf32, #tpu.memory_space<vmem_shared>>
        tpu.enqueue_indirect_dma source(%dma_start3A_73 : memref<128x128xf32, #tpu.memory_space<vmem>>) target(%dma_start3A_79 : memref<10240x128xf32, #tpu.memory_space<vmem_shared>>) offsets(%dma_start3A_76 : memref<128xi32, #tpu.memory_space<vmem>>) semaphore(%run_scoped3A_69 : memref<!tpu.dma_semaphore, #tpu.memory_space<semaphore_mem>>) {add = true}
        %dma_wait3A_80 = arith.constant 0 : i32
        %dma_wait3A_81 = arith.constant 0 : i32
        %dma_wait3A_82 = tpu.memref_slice %arg9[%run_scoped3A_54, %dma_wait3A_80, %dma_wait3A_81] : memref<2x128x128xf32, #tpu.memory_space<vmem>> -> memref<1x128x128xf32, #tpu.memory_space<vmem>>
        %dma_wait3A_83 = tpu.memref_squeeze %dma_wait3A_82 : memref<1x128x128xf32, #tpu.memory_space<vmem>> -> memref<128x128xf32, #tpu.memory_space<vmem>>
        %dma_wait3A_84 = arith.constant 0 : i32
        %dma_wait3A_85 = tpu.memref_slice %arg8[%add3A_20, %dma_wait3A_84] : memref<40x128xi32, #tpu.memory_space<vmem>> -> memref<1x128xi32, #tpu.memory_space<vmem>>
        %dma_wait3A_86 = tpu.memref_squeeze %dma_wait3A_85 : memref<1x128xi32, #tpu.memory_space<vmem>> -> memref<128xi32, #tpu.memory_space<vmem>>
        %dma_wait3A_87 = arith.constant 0 : i32
        %dma_wait3A_88 = arith.constant 0 : i32
        %dma_wait3A_89 = tpu.memref_slice %arg10[%dma_wait3A_87, %dma_wait3A_88] : memref<10240x128xf32, #tpu.memory_space<vmem_shared>> -> memref<10240x128xf32, #tpu.memory_space<vmem_shared>>
        tpu.wait_indirect_dma semaphore(%run_scoped3A_69 : memref<!tpu.dma_semaphore, #tpu.memory_space<semaphore_mem>>) src(%dma_wait3A_83 : memref<128x128xf32, #tpu.memory_space<vmem>>) dst(%dma_wait3A_89 : memref<10240x128xf32, #tpu.memory_space<vmem_shared>>)
        tpu.yield
      }) : () -> ()
      %dma_wait3A_55 = arith.constant 1 : i32
      %dma_wait3A_56 = arith.constant 0 : i32
      %dma_wait3A_57 = arith.constant 0 : i32
      %dma_wait3A_58 = tpu.memref_slice %arg9[%dma_wait3A_55, %dma_wait3A_56, %dma_wait3A_57] : memref<2x128x128xf32, #tpu.memory_space<vmem>> -> memref<1x128x128xf32, #tpu.memory_space<vmem>>
      %dma_wait3A_59 = tpu.memref_squeeze %dma_wait3A_58 : memref<1x128x128xf32, #tpu.memory_space<vmem>> -> memref<128x128xf32, #tpu.memory_space<vmem>>
      %dma_wait3A_60 = arith.constant 0 : i32
      %dma_wait3A_61 = tpu.memref_slice %arg7[%add3A_32, %dma_wait3A_60] : memref<40x128xi32, #tpu.memory_space<vmem>> -> memref<1x128xi32, #tpu.memory_space<vmem>>
      %dma_wait3A_62 = tpu.memref_squeeze %dma_wait3A_61 : memref<1x128xi32, #tpu.memory_space<vmem>> -> memref<128xi32, #tpu.memory_space<vmem>>
      %dma_wait3A_63 = arith.constant 0 : i32
      %dma_wait3A_64 = arith.constant 0 : i32
      %dma_wait3A_65 = tpu.memref_slice %arg2[%dma_wait3A_63, %dma_wait3A_64] : memref<10240x128xf32, #tpu.memory_space<hbm>> -> memref<10240x128xf32, #tpu.memory_space<hbm>>
      tpu.wait_indirect_dma semaphore(%arg12 : memref<!tpu.dma_semaphore, #tpu.memory_space<semaphore_mem>>) src(%dma_wait3A_65 : memref<10240x128xf32, #tpu.memory_space<hbm>>) dst(%dma_wait3A_59 : memref<128x128xf32, #tpu.memory_space<vmem>>)
      %add3A_66 = arith.constant 1 : i32
      %add3A_67 = arith.addi %add3A_20, %add3A_66 : i32
      %run_scoped3A_68 = arith.constant 1 : i32
      "tpu.region"() ({
        %run_scoped3A_69 = tpu.sem_alloc : memref<!tpu.dma_semaphore, #tpu.memory_space<semaphore_mem>>
        %dma_start3A_70 = arith.constant 0 : i32
        %dma_start3A_71 = arith.constant 0 : i32
        %dma_start3A_72 = tpu.memref_slice %arg9[%run_scoped3A_68, %dma_start3A_70, %dma_start3A_71] : memref<2x128x128xf32, #tpu.memory_space<vmem>> -> memref<1x128x128xf32, #tpu.memory_space<vmem>>
        %dma_start3A_73 = tpu.memref_squeeze %dma_start3A_72 : memref<1x128x128xf32, #tpu.memory_space<vmem>> -> memref<128x128xf32, #tpu.memory_space<vmem>>
        %dma_start3A_74 = arith.constant 0 : i32
        %dma_start3A_75 = tpu.memref_slice %arg8[%add3A_67, %dma_start3A_74] : memref<40x128xi32, #tpu.memory_space<vmem>> -> memref<1x128xi32, #tpu.memory_space<vmem>>
        %dma_start3A_76 = tpu.memref_squeeze %dma_start3A_75 : memref<1x128xi32, #tpu.memory_space<vmem>> -> memref<128xi32, #tpu.memory_space<vmem>>
        %dma_start3A_77 = arith.constant 0 : i32
        %dma_start3A_78 = arith.constant 0 : i32
        %dma_start3A_79 = tpu.memref_slice %arg10[%dma_start3A_77, %dma_start3A_78] : memref<10240x128xf32, #tpu.memory_space<vmem_shared>> -> memref<10240x128xf32, #tpu.memory_space<vmem_shared>>
        tpu.enqueue_indirect_dma source(%dma_start3A_73 : memref<128x128xf32, #tpu.memory_space<vmem>>) target(%dma_start3A_79 : memref<10240x128xf32, #tpu.memory_space<vmem_shared>>) offsets(%dma_start3A_76 : memref<128xi32, #tpu.memory_space<vmem>>) semaphore(%run_scoped3A_69 : memref<!tpu.dma_semaphore, #tpu.memory_space<semaphore_mem>>) {add = true}
        %dma_wait3A_80 = arith.constant 0 : i32
        %dma_wait3A_81 = arith.constant 0 : i32
        %dma_wait3A_82 = tpu.memref_slice %arg9[%run_scoped3A_68, %dma_wait3A_80, %dma_wait3A_81] : memref<2x128x128xf32, #tpu.memory_space<vmem>> -> memref<1x128x128xf32, #tpu.memory_space<vmem>>
        %dma_wait3A_83 = tpu.memref_squeeze %dma_wait3A_82 : memref<1x128x128xf32, #tpu.memory_space<vmem>> -> memref<128x128xf32, #tpu.memory_space<vmem>>
        %dma_wait3A_84 = arith.constant 0 : i32
        %dma_wait3A_85 = tpu.memref_slice %arg8[%add3A_67, %dma_wait3A_84] : memref<40x128xi32, #tpu.memory_space<vmem>> -> memref<1x128xi32, #tpu.memory_space<vmem>>
        %dma_wait3A_86 = tpu.memref_squeeze %dma_wait3A_85 : memref<1x128xi32, #tpu.memory_space<vmem>> -> memref<128xi32, #tpu.memory_space<vmem>>
        %dma_wait3A_87 = arith.constant 0 : i32
        %dma_wait3A_88 = arith.constant 0 : i32
        %dma_wait3A_89 = tpu.memref_slice %arg10[%dma_wait3A_87, %dma_wait3A_88] : memref<10240x128xf32, #tpu.memory_space<vmem_shared>> -> memref<10240x128xf32, #tpu.memory_space<vmem_shared>>
        tpu.wait_indirect_dma semaphore(%run_scoped3A_69 : memref<!tpu.dma_semaphore, #tpu.memory_space<semaphore_mem>>) src(%dma_wait3A_83 : memref<128x128xf32, #tpu.memory_space<vmem>>) dst(%dma_wait3A_89 : memref<10240x128xf32, #tpu.memory_space<vmem_shared>>)
        tpu.yield
      }) : () -> ()
    }
    %scan3A_14 = arith.constant 20 : i32
    %barrier3A_15 = arith.constant 0 : index
    tpu.barrier barrier_id(%barrier3A_15)
    "tpu.region"() ({
      %run_scoped3A_16 = tpu.sem_alloc : memref<!tpu.dma_semaphore, #tpu.memory_space<semaphore_mem>>
      %dma_start3A = arith.constant 0 : i32
      %dma_start3A_17 = tpu.memref_slice %arg6[%arg0, %mul3A_2, %dma_start3A] : memref<2x10240x128xf32, #tpu.memory_space<hbm>> -> memref<1x640x128xf32, #tpu.memory_space<hbm>>
      %dma_start3A_18 = tpu.memref_squeeze %dma_start3A_17 : memref<1x640x128xf32, #tpu.memory_space<hbm>> -> memref<640x128xf32, #tpu.memory_space<hbm>>
      %dma_start3A_19 = arith.constant 0 : i32
      %dma_start3A_20 = tpu.memref_slice %arg10[%mul3A_2, %dma_start3A_19] : memref<10240x128xf32, #tpu.memory_space<vmem_shared>> -> memref<640x128xf32, #tpu.memory_space<vmem_shared>>
      tpu.enqueue_dma source(%dma_start3A_20 : memref<640x128xf32, #tpu.memory_space<vmem_shared>>) target(%dma_start3A_18 : memref<640x128xf32, #tpu.memory_space<hbm>>) target_semaphore(%run_scoped3A_16 : memref<!tpu.dma_semaphore, #tpu.memory_space<semaphore_mem>>)
      %dma_wait3A = arith.constant 0 : i32
      %dma_wait3A_21 = tpu.memref_slice %arg6[%arg0, %mul3A_2, %dma_wait3A] : memref<2x10240x128xf32, #tpu.memory_space<hbm>> -> memref<1x640x128xf32, #tpu.memory_space<hbm>>
      %dma_wait3A_22 = tpu.memref_squeeze %dma_wait3A_21 : memref<1x640x128xf32, #tpu.memory_space<hbm>> -> memref<640x128xf32, #tpu.memory_space<hbm>>
      %dma_wait3A_23 = arith.constant 0 : i32
      %dma_wait3A_24 = tpu.memref_slice %arg10[%mul3A_2, %dma_wait3A_23] : memref<10240x128xf32, #tpu.memory_space<vmem_shared>> -> memref<640x128xf32, #tpu.memory_space<vmem_shared>>
      tpu.wait_dma2 semaphore(%run_scoped3A_16 : memref<!tpu.dma_semaphore, #tpu.memory_space<semaphore_mem>>) src(%dma_wait3A_24 : memref<640x128xf32, #tpu.memory_space<vmem_shared>>) dst(%dma_wait3A_22 : memref<640x128xf32, #tpu.memory_space<hbm>>)
      tpu.yield
    }) : () -> ()
    return
  }
}

#map = affine_map<(d0, d1) -> (0, 0)>
#map1 = affine_map<(d0, d1) -> (0, 0, 0, 0)>
#map2 = affine_map<(d0, d1) -> (0, 0, 0)>
module attributes {stable_mosaic.version = 14 : i64} {
  func.func @_sc_aggregate(%arg0: i32, %arg1: i32, %arg2: memref<10240x128xf32, #tpu.memory_space<hbm>>, %arg3: memref<32x2x40x128xi32, #tpu.memory_space<hbm>>, %arg4: memref<32x2x40x128xi32, #tpu.memory_space<hbm>>, %arg5: memref<10240x128xf32, #tpu.memory_space<hbm>>, %arg6: memref<2x10240x128xf32, #tpu.memory_space<hbm>>, %arg7: memref<40x128xi32, #tpu.memory_space<vmem>>, %arg8: memref<40x128xi32, #tpu.memory_space<vmem>>, %arg9: memref<2x128x128xf32, #tpu.memory_space<vmem>>, %arg10: memref<10240x128xf32, #tpu.memory_space<vmem_shared>>, %arg11: memref<!tpu.dma_semaphore, #tpu.memory_space<semaphore_mem>>, %arg12: memref<!tpu.dma_semaphore, #tpu.memory_space<semaphore_mem>>) attributes {dimension_semantics = [#tpu.dimension_semantics<core_parallel>, #tpu.dimension_semantics<subcore_parallel>], iteration_bounds = array<i64: 2, 16>, scalar_prefetch = 0 : i64, scratch_operands = 6 : i64, tpu.core_type = #tpu.core_type<sc_vector_subcore>, window_params = [{transform_indices = #map}, {transform_indices = #map1}, {transform_indices = #map1}, {transform_indices = #map}, {transform_indices = #map2}]} {
    %mul3A = arith.constant 2 : i32
    %mul3A_0 = arith.muli %arg1, %mul3A : i32
    %add3A = arith.addi %mul3A_0, %arg0 : i32
    %mul3A_1 = arith.constant 640 : i32
    %mul3A_2 = arith.muli %arg1, %mul3A_1 : i32
    "tpu.region"() ({
      %run_scoped3A_16 = tpu.sem_alloc : memref<!tpu.dma_semaphore, #tpu.memory_space<semaphore_mem>>
      %dma_start3A = arith.constant 0 : i32
      %dma_start3A_17 = tpu.memref_slice %arg10[%mul3A_2, %dma_start3A] : memref<10240x128xf32, #tpu.memory_space<vmem_shared>> -> memref<640x128xf32, #tpu.memory_space<vmem_shared>>
      %dma_start3A_18 = arith.constant 0 : i32
      %dma_start3A_19 = tpu.memref_slice %arg5[%mul3A_2, %dma_start3A_18] : memref<10240x128xf32, #tpu.memory_space<hbm>> -> memref<640x128xf32, #tpu.memory_space<hbm>>
      tpu.enqueue_dma source(%dma_start3A_19 : memref<640x128xf32, #tpu.memory_space<hbm>>) target(%dma_start3A_17 : memref<640x128xf32, #tpu.memory_space<vmem_shared>>) target_semaphore(%run_scoped3A_16 : memref<!tpu.dma_semaphore, #tpu.memory_space<semaphore_mem>>)
      %dma_wait3A = arith.constant 0 : i32
      %dma_wait3A_20 = tpu.memref_slice %arg10[%mul3A_2, %dma_wait3A] : memref<10240x128xf32, #tpu.memory_space<vmem_shared>> -> memref<640x128xf32, #tpu.memory_space<vmem_shared>>
      %dma_wait3A_21 = arith.constant 0 : i32
      %dma_wait3A_22 = tpu.memref_slice %arg5[%mul3A_2, %dma_wait3A_21] : memref<10240x128xf32, #tpu.memory_space<hbm>> -> memref<640x128xf32, #tpu.memory_space<hbm>>
      tpu.wait_dma2 semaphore(%run_scoped3A_16 : memref<!tpu.dma_semaphore, #tpu.memory_space<semaphore_mem>>) src(%dma_wait3A_22 : memref<640x128xf32, #tpu.memory_space<hbm>>) dst(%dma_wait3A_20 : memref<640x128xf32, #tpu.memory_space<vmem_shared>>)
      tpu.yield
    }) : () -> ()
    %barrier3A = arith.constant 0 : index
    tpu.barrier barrier_id(%barrier3A)
    %run_scoped3A = arith.constant 0 : i32
    "tpu.region"() ({
      %run_scoped3A_16 = tpu.sem_alloc : memref<!tpu.dma_semaphore, #tpu.memory_space<semaphore_mem>>
      %dma_start3A = arith.constant 0 : i32
      %dma_start3A_17 = arith.constant 0 : i32
      %dma_start3A_18 = tpu.memref_slice %arg3[%add3A, %run_scoped3A, %dma_start3A, %dma_start3A_17] : memref<32x2x40x128xi32, #tpu.memory_space<hbm>> -> memref<1x1x40x128xi32, #tpu.memory_space<hbm>>
      %dma_start3A_19 = tpu.memref_squeeze %dma_start3A_18 : memref<1x1x40x128xi32, #tpu.memory_space<hbm>> -> memref<40x128xi32, #tpu.memory_space<hbm>>
      %dma_start3A_20 = arith.constant 0 : i32
      %dma_start3A_21 = arith.constant 0 : i32
      %dma_start3A_22 = tpu.memref_slice %arg3[%add3A, %run_scoped3A, %dma_start3A_20, %dma_start3A_21] : memref<32x2x40x128xi32, #tpu.memory_space<hbm>> -> memref<1x1x40x128xi32, #tpu.memory_space<hbm>>
      %dma_start3A_23 = tpu.memref_squeeze %dma_start3A_22 : memref<1x1x40x128xi32, #tpu.memory_space<hbm>> -> memref<40x128xi32, #tpu.memory_space<hbm>>
      tpu.enqueue_dma source(%dma_start3A_23 : memref<40x128xi32, #tpu.memory_space<hbm>>) target(%arg7 : memref<40x128xi32, #tpu.memory_space<vmem>>) target_semaphore(%run_scoped3A_16 : memref<!tpu.dma_semaphore, #tpu.memory_space<semaphore_mem>>)
      %dma_wait3A = arith.constant 0 : i32
      %dma_wait3A_24 = arith.constant 0 : i32
      %dma_wait3A_25 = tpu.memref_slice %arg3[%add3A, %run_scoped3A, %dma_wait3A, %dma_wait3A_24] : memref<32x2x40x128xi32, #tpu.memory_space<hbm>> -> memref<1x1x40x128xi32, #tpu.memory_space<hbm>>
      %dma_wait3A_26 = tpu.memref_squeeze %dma_wait3A_25 : memref<1x1x40x128xi32, #tpu.memory_space<hbm>> -> memref<40x128xi32, #tpu.memory_space<hbm>>
      %dma_wait3A_27 = arith.constant 0 : i32
      %dma_wait3A_28 = arith.constant 0 : i32
      %dma_wait3A_29 = tpu.memref_slice %arg3[%add3A, %run_scoped3A, %dma_wait3A_27, %dma_wait3A_28] : memref<32x2x40x128xi32, #tpu.memory_space<hbm>> -> memref<1x1x40x128xi32, #tpu.memory_space<hbm>>
      %dma_wait3A_30 = tpu.memref_squeeze %dma_wait3A_29 : memref<1x1x40x128xi32, #tpu.memory_space<hbm>> -> memref<40x128xi32, #tpu.memory_space<hbm>>
      tpu.wait_dma2 semaphore(%run_scoped3A_16 : memref<!tpu.dma_semaphore, #tpu.memory_space<semaphore_mem>>) src(%dma_wait3A_30 : memref<40x128xi32, #tpu.memory_space<hbm>>) dst(%arg7 : memref<40x128xi32, #tpu.memory_space<vmem>>)
      tpu.yield
    }) : () -> ()
    %run_scoped3A_3 = arith.constant 0 : i32
    "tpu.region"() ({
      %run_scoped3A_16 = tpu.sem_alloc : memref<!tpu.dma_semaphore, #tpu.memory_space<semaphore_mem>>
      %dma_start3A = arith.constant 0 : i32
      %dma_start3A_17 = arith.constant 0 : i32
      %dma_start3A_18 = tpu.memref_slice %arg4[%add3A, %run_scoped3A_3, %dma_start3A, %dma_start3A_17] : memref<32x2x40x128xi32, #tpu.memory_space<hbm>> -> memref<1x1x40x128xi32, #tpu.memory_space<hbm>>
      %dma_start3A_19 = tpu.memref_squeeze %dma_start3A_18 : memref<1x1x40x128xi32, #tpu.memory_space<hbm>> -> memref<40x128xi32, #tpu.memory_space<hbm>>
      %dma_start3A_20 = arith.constant 0 : i32
      %dma_start3A_21 = arith.constant 0 : i32
      %dma_start3A_22 = tpu.memref_slice %arg4[%add3A, %run_scoped3A_3, %dma_start3A_20, %dma_start3A_21] : memref<32x2x40x128xi32, #tpu.memory_space<hbm>> -> memref<1x1x40x128xi32, #tpu.memory_space<hbm>>
      %dma_start3A_23 = tpu.memref_squeeze %dma_start3A_22 : memref<1x1x40x128xi32, #tpu.memory_space<hbm>> -> memref<40x128xi32, #tpu.memory_space<hbm>>
      tpu.enqueue_dma source(%dma_start3A_23 : memref<40x128xi32, #tpu.memory_space<hbm>>) target(%arg8 : memref<40x128xi32, #tpu.memory_space<vmem>>) target_semaphore(%run_scoped3A_16 : memref<!tpu.dma_semaphore, #tpu.memory_space<semaphore_mem>>)
      %dma_wait3A = arith.constant 0 : i32
      %dma_wait3A_24 = arith.constant 0 : i32
      %dma_wait3A_25 = tpu.memref_slice %arg4[%add3A, %run_scoped3A_3, %dma_wait3A, %dma_wait3A_24] : memref<32x2x40x128xi32, #tpu.memory_space<hbm>> -> memref<1x1x40x128xi32, #tpu.memory_space<hbm>>
      %dma_wait3A_26 = tpu.memref_squeeze %dma_wait3A_25 : memref<1x1x40x128xi32, #tpu.memory_space<hbm>> -> memref<40x128xi32, #tpu.memory_space<hbm>>
      %dma_wait3A_27 = arith.constant 0 : i32
      %dma_wait3A_28 = arith.constant 0 : i32
      %dma_wait3A_29 = tpu.memref_slice %arg4[%add3A, %run_scoped3A_3, %dma_wait3A_27, %dma_wait3A_28] : memref<32x2x40x128xi32, #tpu.memory_space<hbm>> -> memref<1x1x40x128xi32, #tpu.memory_space<hbm>>
      %dma_wait3A_30 = tpu.memref_squeeze %dma_wait3A_29 : memref<1x1x40x128xi32, #tpu.memory_space<hbm>> -> memref<40x128xi32, #tpu.memory_space<hbm>>
      tpu.wait_dma2 semaphore(%run_scoped3A_16 : memref<!tpu.dma_semaphore, #tpu.memory_space<semaphore_mem>>) src(%dma_wait3A_30 : memref<40x128xi32, #tpu.memory_space<hbm>>) dst(%arg8 : memref<40x128xi32, #tpu.memory_space<vmem>>)
      tpu.yield
    }) : () -> ()
    %scan3A = arith.constant 0 : i32
    %scan3A_4 = arith.constant 20 : i32
    %scan3A_5 = arith.addi %scan3A, %scan3A_4 : i32
    %scan3A_6 = arith.constant 1 : i32
    scf.for %scan3A_16 = %scan3A to %scan3A_5 step %scan3A_6  : i32 {
      %mul3A_17 = arith.constant 2 : i32
      %mul3A_18 = arith.muli %scan3A_16, %mul3A_17 : i32
      %add3A_19 = arith.constant 0 : i32
      %add3A_20 = arith.addi %add3A_19, %mul3A_18 : i32
      %dma_start3A = arith.constant 0 : i32
      %dma_start3A_21 = arith.constant 0 : i32
      %dma_start3A_22 = arith.constant 0 : i32
      %dma_start3A_23 = tpu.memref_slice %arg9[%dma_start3A, %dma_start3A_21, %dma_start3A_22] : memref<2x128x128xf32, #tpu.memory_space<vmem>> -> memref<1x128x128xf32, #tpu.memory_space<vmem>>
      %dma_start3A_24 = tpu.memref_squeeze %dma_start3A_23 : memref<1x128x128xf32, #tpu.memory_space<vmem>> -> memref<128x128xf32, #tpu.memory_space<vmem>>
      %dma_start3A_25 = arith.constant 0 : i32
      %dma_start3A_26 = tpu.memref_slice %arg7[%add3A_20, %dma_start3A_25] : memref<40x128xi32, #tpu.memory_space<vmem>> -> memref<1x128xi32, #tpu.memory_space<vmem>>
      %dma_start3A_27 = tpu.memref_squeeze %dma_start3A_26 : memref<1x128xi32, #tpu.memory_space<vmem>> -> memref<128xi32, #tpu.memory_space<vmem>>
      %dma_start3A_28 = arith.constant 0 : i32
      %dma_start3A_29 = arith.constant 0 : i32
      %dma_start3A_30 = tpu.memref_slice %arg2[%dma_start3A_28, %dma_start3A_29] : memref<10240x128xf32, #tpu.memory_space<hbm>> -> memref<10240x128xf32, #tpu.memory_space<hbm>>
      tpu.enqueue_indirect_dma source(%dma_start3A_30 : memref<10240x128xf32, #tpu.memory_space<hbm>>) target(%dma_start3A_24 : memref<128x128xf32, #tpu.memory_space<vmem>>) offsets(%dma_start3A_27 : memref<128xi32, #tpu.memory_space<vmem>>) semaphore(%arg11 : memref<!tpu.dma_semaphore, #tpu.memory_space<semaphore_mem>>)
      %add3A_31 = arith.constant 1 : i32
      %add3A_32 = arith.addi %add3A_20, %add3A_31 : i32
      %dma_start3A_33 = arith.constant 1 : i32
      %dma_start3A_34 = arith.constant 0 : i32
      %dma_start3A_35 = arith.constant 0 : i32
      %dma_start3A_36 = tpu.memref_slice %arg9[%dma_start3A_33, %dma_start3A_34, %dma_start3A_35] : memref<2x128x128xf32, #tpu.memory_space<vmem>> -> memref<1x128x128xf32, #tpu.memory_space<vmem>>
      %dma_start3A_37 = tpu.memref_squeeze %dma_start3A_36 : memref<1x128x128xf32, #tpu.memory_space<vmem>> -> memref<128x128xf32, #tpu.memory_space<vmem>>
      %dma_start3A_38 = arith.constant 0 : i32
      %dma_start3A_39 = tpu.memref_slice %arg7[%add3A_32, %dma_start3A_38] : memref<40x128xi32, #tpu.memory_space<vmem>> -> memref<1x128xi32, #tpu.memory_space<vmem>>
      %dma_start3A_40 = tpu.memref_squeeze %dma_start3A_39 : memref<1x128xi32, #tpu.memory_space<vmem>> -> memref<128xi32, #tpu.memory_space<vmem>>
      %dma_start3A_41 = arith.constant 0 : i32
      %dma_start3A_42 = arith.constant 0 : i32
      %dma_start3A_43 = tpu.memref_slice %arg2[%dma_start3A_41, %dma_start3A_42] : memref<10240x128xf32, #tpu.memory_space<hbm>> -> memref<10240x128xf32, #tpu.memory_space<hbm>>
      tpu.enqueue_indirect_dma source(%dma_start3A_43 : memref<10240x128xf32, #tpu.memory_space<hbm>>) target(%dma_start3A_37 : memref<128x128xf32, #tpu.memory_space<vmem>>) offsets(%dma_start3A_40 : memref<128xi32, #tpu.memory_space<vmem>>) semaphore(%arg12 : memref<!tpu.dma_semaphore, #tpu.memory_space<semaphore_mem>>)
      %dma_wait3A = arith.constant 0 : i32
      %dma_wait3A_44 = arith.constant 0 : i32
      %dma_wait3A_45 = arith.constant 0 : i32
      %dma_wait3A_46 = tpu.memref_slice %arg9[%dma_wait3A, %dma_wait3A_44, %dma_wait3A_45] : memref<2x128x128xf32, #tpu.memory_space<vmem>> -> memref<1x128x128xf32, #tpu.memory_space<vmem>>
      %dma_wait3A_47 = tpu.memref_squeeze %dma_wait3A_46 : memref<1x128x128xf32, #tpu.memory_space<vmem>> -> memref<128x128xf32, #tpu.memory_space<vmem>>
      %dma_wait3A_48 = arith.constant 0 : i32
      %dma_wait3A_49 = tpu.memref_slice %arg7[%add3A_20, %dma_wait3A_48] : memref<40x128xi32, #tpu.memory_space<vmem>> -> memref<1x128xi32, #tpu.memory_space<vmem>>
      %dma_wait3A_50 = tpu.memref_squeeze %dma_wait3A_49 : memref<1x128xi32, #tpu.memory_space<vmem>> -> memref<128xi32, #tpu.memory_space<vmem>>
      %dma_wait3A_51 = arith.constant 0 : i32
      %dma_wait3A_52 = arith.constant 0 : i32
      %dma_wait3A_53 = tpu.memref_slice %arg2[%dma_wait3A_51, %dma_wait3A_52] : memref<10240x128xf32, #tpu.memory_space<hbm>> -> memref<10240x128xf32, #tpu.memory_space<hbm>>
      tpu.wait_indirect_dma semaphore(%arg11 : memref<!tpu.dma_semaphore, #tpu.memory_space<semaphore_mem>>) src(%dma_wait3A_53 : memref<10240x128xf32, #tpu.memory_space<hbm>>) dst(%dma_wait3A_47 : memref<128x128xf32, #tpu.memory_space<vmem>>)
      %run_scoped3A_54 = arith.constant 0 : i32
      "tpu.region"() ({
        %run_scoped3A_69 = tpu.sem_alloc : memref<!tpu.dma_semaphore, #tpu.memory_space<semaphore_mem>>
        %dma_start3A_70 = arith.constant 0 : i32
        %dma_start3A_71 = arith.constant 0 : i32
        %dma_start3A_72 = tpu.memref_slice %arg9[%run_scoped3A_54, %dma_start3A_70, %dma_start3A_71] : memref<2x128x128xf32, #tpu.memory_space<vmem>> -> memref<1x128x128xf32, #tpu.memory_space<vmem>>
        %dma_start3A_73 = tpu.memref_squeeze %dma_start3A_72 : memref<1x128x128xf32, #tpu.memory_space<vmem>> -> memref<128x128xf32, #tpu.memory_space<vmem>>
        %dma_start3A_74 = arith.constant 0 : i32
        %dma_start3A_75 = tpu.memref_slice %arg8[%add3A_20, %dma_start3A_74] : memref<40x128xi32, #tpu.memory_space<vmem>> -> memref<1x128xi32, #tpu.memory_space<vmem>>
        %dma_start3A_76 = tpu.memref_squeeze %dma_start3A_75 : memref<1x128xi32, #tpu.memory_space<vmem>> -> memref<128xi32, #tpu.memory_space<vmem>>
        %dma_start3A_77 = arith.constant 0 : i32
        %dma_start3A_78 = arith.constant 0 : i32
        %dma_start3A_79 = tpu.memref_slice %arg10[%dma_start3A_77, %dma_start3A_78] : memref<10240x128xf32, #tpu.memory_space<vmem_shared>> -> memref<10240x128xf32, #tpu.memory_space<vmem_shared>>
        tpu.enqueue_indirect_dma source(%dma_start3A_73 : memref<128x128xf32, #tpu.memory_space<vmem>>) target(%dma_start3A_79 : memref<10240x128xf32, #tpu.memory_space<vmem_shared>>) offsets(%dma_start3A_76 : memref<128xi32, #tpu.memory_space<vmem>>) semaphore(%run_scoped3A_69 : memref<!tpu.dma_semaphore, #tpu.memory_space<semaphore_mem>>) {add = true}
        %dma_wait3A_80 = arith.constant 0 : i32
        %dma_wait3A_81 = arith.constant 0 : i32
        %dma_wait3A_82 = tpu.memref_slice %arg9[%run_scoped3A_54, %dma_wait3A_80, %dma_wait3A_81] : memref<2x128x128xf32, #tpu.memory_space<vmem>> -> memref<1x128x128xf32, #tpu.memory_space<vmem>>
        %dma_wait3A_83 = tpu.memref_squeeze %dma_wait3A_82 : memref<1x128x128xf32, #tpu.memory_space<vmem>> -> memref<128x128xf32, #tpu.memory_space<vmem>>
        %dma_wait3A_84 = arith.constant 0 : i32
        %dma_wait3A_85 = tpu.memref_slice %arg8[%add3A_20, %dma_wait3A_84] : memref<40x128xi32, #tpu.memory_space<vmem>> -> memref<1x128xi32, #tpu.memory_space<vmem>>
        %dma_wait3A_86 = tpu.memref_squeeze %dma_wait3A_85 : memref<1x128xi32, #tpu.memory_space<vmem>> -> memref<128xi32, #tpu.memory_space<vmem>>
        %dma_wait3A_87 = arith.constant 0 : i32
        %dma_wait3A_88 = arith.constant 0 : i32
        %dma_wait3A_89 = tpu.memref_slice %arg10[%dma_wait3A_87, %dma_wait3A_88] : memref<10240x128xf32, #tpu.memory_space<vmem_shared>> -> memref<10240x128xf32, #tpu.memory_space<vmem_shared>>
        tpu.wait_indirect_dma semaphore(%run_scoped3A_69 : memref<!tpu.dma_semaphore, #tpu.memory_space<semaphore_mem>>) src(%dma_wait3A_83 : memref<128x128xf32, #tpu.memory_space<vmem>>) dst(%dma_wait3A_89 : memref<10240x128xf32, #tpu.memory_space<vmem_shared>>)
        tpu.yield
      }) : () -> ()
      %dma_wait3A_55 = arith.constant 1 : i32
      %dma_wait3A_56 = arith.constant 0 : i32
      %dma_wait3A_57 = arith.constant 0 : i32
      %dma_wait3A_58 = tpu.memref_slice %arg9[%dma_wait3A_55, %dma_wait3A_56, %dma_wait3A_57] : memref<2x128x128xf32, #tpu.memory_space<vmem>> -> memref<1x128x128xf32, #tpu.memory_space<vmem>>
      %dma_wait3A_59 = tpu.memref_squeeze %dma_wait3A_58 : memref<1x128x128xf32, #tpu.memory_space<vmem>> -> memref<128x128xf32, #tpu.memory_space<vmem>>
      %dma_wait3A_60 = arith.constant 0 : i32
      %dma_wait3A_61 = tpu.memref_slice %arg7[%add3A_32, %dma_wait3A_60] : memref<40x128xi32, #tpu.memory_space<vmem>> -> memref<1x128xi32, #tpu.memory_space<vmem>>
      %dma_wait3A_62 = tpu.memref_squeeze %dma_wait3A_61 : memref<1x128xi32, #tpu.memory_space<vmem>> -> memref<128xi32, #tpu.memory_space<vmem>>
      %dma_wait3A_63 = arith.constant 0 : i32
      %dma_wait3A_64 = arith.constant 0 : i32
      %dma_wait3A_65 = tpu.memref_slice %arg2[%dma_wait3A_63, %dma_wait3A_64] : memref<10240x128xf32, #tpu.memory_space<hbm>> -> memref<10240x128xf32, #tpu.memory_space<hbm>>
      tpu.wait_indirect_dma semaphore(%arg12 : memref<!tpu.dma_semaphore, #tpu.memory_space<semaphore_mem>>) src(%dma_wait3A_65 : memref<10240x128xf32, #tpu.memory_space<hbm>>) dst(%dma_wait3A_59 : memref<128x128xf32, #tpu.memory_space<vmem>>)
      %add3A_66 = arith.constant 1 : i32
      %add3A_67 = arith.addi %add3A_20, %add3A_66 : i32
      %run_scoped3A_68 = arith.constant 1 : i32
      "tpu.region"() ({
        %run_scoped3A_69 = tpu.sem_alloc : memref<!tpu.dma_semaphore, #tpu.memory_space<semaphore_mem>>
        %dma_start3A_70 = arith.constant 0 : i32
        %dma_start3A_71 = arith.constant 0 : i32
        %dma_start3A_72 = tpu.memref_slice %arg9[%run_scoped3A_68, %dma_start3A_70, %dma_start3A_71] : memref<2x128x128xf32, #tpu.memory_space<vmem>> -> memref<1x128x128xf32, #tpu.memory_space<vmem>>
        %dma_start3A_73 = tpu.memref_squeeze %dma_start3A_72 : memref<1x128x128xf32, #tpu.memory_space<vmem>> -> memref<128x128xf32, #tpu.memory_space<vmem>>
        %dma_start3A_74 = arith.constant 0 : i32
        %dma_start3A_75 = tpu.memref_slice %arg8[%add3A_67, %dma_start3A_74] : memref<40x128xi32, #tpu.memory_space<vmem>> -> memref<1x128xi32, #tpu.memory_space<vmem>>
        %dma_start3A_76 = tpu.memref_squeeze %dma_start3A_75 : memref<1x128xi32, #tpu.memory_space<vmem>> -> memref<128xi32, #tpu.memory_space<vmem>>
        %dma_start3A_77 = arith.constant 0 : i32
        %dma_start3A_78 = arith.constant 0 : i32
        %dma_start3A_79 = tpu.memref_slice %arg10[%dma_start3A_77, %dma_start3A_78] : memref<10240x128xf32, #tpu.memory_space<vmem_shared>> -> memref<10240x128xf32, #tpu.memory_space<vmem_shared>>
        tpu.enqueue_indirect_dma source(%dma_start3A_73 : memref<128x128xf32, #tpu.memory_space<vmem>>) target(%dma_start3A_79 : memref<10240x128xf32, #tpu.memory_space<vmem_shared>>) offsets(%dma_start3A_76 : memref<128xi32, #tpu.memory_space<vmem>>) semaphore(%run_scoped3A_69 : memref<!tpu.dma_semaphore, #tpu.memory_space<semaphore_mem>>) {add = true}
        %dma_wait3A_80 = arith.constant 0 : i32
        %dma_wait3A_81 = arith.constant 0 : i32
        %dma_wait3A_82 = tpu.memref_slice %arg9[%run_scoped3A_68, %dma_wait3A_80, %dma_wait3A_81] : memref<2x128x128xf32, #tpu.memory_space<vmem>> -> memref<1x128x128xf32, #tpu.memory_space<vmem>>
        %dma_wait3A_83 = tpu.memref_squeeze %dma_wait3A_82 : memref<1x128x128xf32, #tpu.memory_space<vmem>> -> memref<128x128xf32, #tpu.memory_space<vmem>>
        %dma_wait3A_84 = arith.constant 0 : i32
        %dma_wait3A_85 = tpu.memref_slice %arg8[%add3A_67, %dma_wait3A_84] : memref<40x128xi32, #tpu.memory_space<vmem>> -> memref<1x128xi32, #tpu.memory_space<vmem>>
        %dma_wait3A_86 = tpu.memref_squeeze %dma_wait3A_85 : memref<1x128xi32, #tpu.memory_space<vmem>> -> memref<128xi32, #tpu.memory_space<vmem>>
        %dma_wait3A_87 = arith.constant 0 : i32
        %dma_wait3A_88 = arith.constant 0 : i32
        %dma_wait3A_89 = tpu.memref_slice %arg10[%dma_wait3A_87, %dma_wait3A_88] : memref<10240x128xf32, #tpu.memory_space<vmem_shared>> -> memref<10240x128xf32, #tpu.memory_space<vmem_shared>>
        tpu.wait_indirect_dma semaphore(%run_scoped3A_69 : memref<!tpu.dma_semaphore, #tpu.memory_space<semaphore_mem>>) src(%dma_wait3A_83 : memref<128x128xf32, #tpu.memory_space<vmem>>) dst(%dma_wait3A_89 : memref<10240x128xf32, #tpu.memory_space<vmem_shared>>)
        tpu.yield
      }) : () -> ()
    }
    %scan3A_7 = arith.constant 20 : i32
    %run_scoped3A_8 = arith.constant 1 : i32
    "tpu.region"() ({
      %run_scoped3A_16 = tpu.sem_alloc : memref<!tpu.dma_semaphore, #tpu.memory_space<semaphore_mem>>
      %dma_start3A = arith.constant 0 : i32
      %dma_start3A_17 = arith.constant 0 : i32
      %dma_start3A_18 = tpu.memref_slice %arg3[%add3A, %run_scoped3A_8, %dma_start3A, %dma_start3A_17] : memref<32x2x40x128xi32, #tpu.memory_space<hbm>> -> memref<1x1x40x128xi32, #tpu.memory_space<hbm>>
      %dma_start3A_19 = tpu.memref_squeeze %dma_start3A_18 : memref<1x1x40x128xi32, #tpu.memory_space<hbm>> -> memref<40x128xi32, #tpu.memory_space<hbm>>
      %dma_start3A_20 = arith.constant 0 : i32
      %dma_start3A_21 = arith.constant 0 : i32
      %dma_start3A_22 = tpu.memref_slice %arg3[%add3A, %run_scoped3A_8, %dma_start3A_20, %dma_start3A_21] : memref<32x2x40x128xi32, #tpu.memory_space<hbm>> -> memref<1x1x40x128xi32, #tpu.memory_space<hbm>>
      %dma_start3A_23 = tpu.memref_squeeze %dma_start3A_22 : memref<1x1x40x128xi32, #tpu.memory_space<hbm>> -> memref<40x128xi32, #tpu.memory_space<hbm>>
      tpu.enqueue_dma source(%dma_start3A_23 : memref<40x128xi32, #tpu.memory_space<hbm>>) target(%arg7 : memref<40x128xi32, #tpu.memory_space<vmem>>) target_semaphore(%run_scoped3A_16 : memref<!tpu.dma_semaphore, #tpu.memory_space<semaphore_mem>>)
      %dma_wait3A = arith.constant 0 : i32
      %dma_wait3A_24 = arith.constant 0 : i32
      %dma_wait3A_25 = tpu.memref_slice %arg3[%add3A, %run_scoped3A_8, %dma_wait3A, %dma_wait3A_24] : memref<32x2x40x128xi32, #tpu.memory_space<hbm>> -> memref<1x1x40x128xi32, #tpu.memory_space<hbm>>
      %dma_wait3A_26 = tpu.memref_squeeze %dma_wait3A_25 : memref<1x1x40x128xi32, #tpu.memory_space<hbm>> -> memref<40x128xi32, #tpu.memory_space<hbm>>
      %dma_wait3A_27 = arith.constant 0 : i32
      %dma_wait3A_28 = arith.constant 0 : i32
      %dma_wait3A_29 = tpu.memref_slice %arg3[%add3A, %run_scoped3A_8, %dma_wait3A_27, %dma_wait3A_28] : memref<32x2x40x128xi32, #tpu.memory_space<hbm>> -> memref<1x1x40x128xi32, #tpu.memory_space<hbm>>
      %dma_wait3A_30 = tpu.memref_squeeze %dma_wait3A_29 : memref<1x1x40x128xi32, #tpu.memory_space<hbm>> -> memref<40x128xi32, #tpu.memory_space<hbm>>
      tpu.wait_dma2 semaphore(%run_scoped3A_16 : memref<!tpu.dma_semaphore, #tpu.memory_space<semaphore_mem>>) src(%dma_wait3A_30 : memref<40x128xi32, #tpu.memory_space<hbm>>) dst(%arg7 : memref<40x128xi32, #tpu.memory_space<vmem>>)
      tpu.yield
    }) : () -> ()
    %run_scoped3A_9 = arith.constant 1 : i32
    "tpu.region"() ({
      %run_scoped3A_16 = tpu.sem_alloc : memref<!tpu.dma_semaphore, #tpu.memory_space<semaphore_mem>>
      %dma_start3A = arith.constant 0 : i32
      %dma_start3A_17 = arith.constant 0 : i32
      %dma_start3A_18 = tpu.memref_slice %arg4[%add3A, %run_scoped3A_9, %dma_start3A, %dma_start3A_17] : memref<32x2x40x128xi32, #tpu.memory_space<hbm>> -> memref<1x1x40x128xi32, #tpu.memory_space<hbm>>
      %dma_start3A_19 = tpu.memref_squeeze %dma_start3A_18 : memref<1x1x40x128xi32, #tpu.memory_space<hbm>> -> memref<40x128xi32, #tpu.memory_space<hbm>>
      %dma_start3A_20 = arith.constant 0 : i32
      %dma_start3A_21 = arith.constant 0 : i32
      %dma_start3A_22 = tpu.memref_slice %arg4[%add3A, %run_scoped3A_9, %dma_start3A_20, %dma_start3A_21] : memref<32x2x40x128xi32, #tpu.memory_space<hbm>> -> memref<1x1x40x128xi32, #tpu.memory_space<hbm>>
      %dma_start3A_23 = tpu.memref_squeeze %dma_start3A_22 : memref<1x1x40x128xi32, #tpu.memory_space<hbm>> -> memref<40x128xi32, #tpu.memory_space<hbm>>
      tpu.enqueue_dma source(%dma_start3A_23 : memref<40x128xi32, #tpu.memory_space<hbm>>) target(%arg8 : memref<40x128xi32, #tpu.memory_space<vmem>>) target_semaphore(%run_scoped3A_16 : memref<!tpu.dma_semaphore, #tpu.memory_space<semaphore_mem>>)
      %dma_wait3A = arith.constant 0 : i32
      %dma_wait3A_24 = arith.constant 0 : i32
      %dma_wait3A_25 = tpu.memref_slice %arg4[%add3A, %run_scoped3A_9, %dma_wait3A, %dma_wait3A_24] : memref<32x2x40x128xi32, #tpu.memory_space<hbm>> -> memref<1x1x40x128xi32, #tpu.memory_space<hbm>>
      %dma_wait3A_26 = tpu.memref_squeeze %dma_wait3A_25 : memref<1x1x40x128xi32, #tpu.memory_space<hbm>> -> memref<40x128xi32, #tpu.memory_space<hbm>>
      %dma_wait3A_27 = arith.constant 0 : i32
      %dma_wait3A_28 = arith.constant 0 : i32
      %dma_wait3A_29 = tpu.memref_slice %arg4[%add3A, %run_scoped3A_9, %dma_wait3A_27, %dma_wait3A_28] : memref<32x2x40x128xi32, #tpu.memory_space<hbm>> -> memref<1x1x40x128xi32, #tpu.memory_space<hbm>>
      %dma_wait3A_30 = tpu.memref_squeeze %dma_wait3A_29 : memref<1x1x40x128xi32, #tpu.memory_space<hbm>> -> memref<40x128xi32, #tpu.memory_space<hbm>>
      tpu.wait_dma2 semaphore(%run_scoped3A_16 : memref<!tpu.dma_semaphore, #tpu.memory_space<semaphore_mem>>) src(%dma_wait3A_30 : memref<40x128xi32, #tpu.memory_space<hbm>>) dst(%arg8 : memref<40x128xi32, #tpu.memory_space<vmem>>)
      tpu.yield
    }) : () -> ()
    %scan3A_10 = arith.constant 0 : i32
    %scan3A_11 = arith.constant 20 : i32
    %scan3A_12 = arith.addi %scan3A_10, %scan3A_11 : i32
    %scan3A_13 = arith.constant 1 : i32
    scf.for %scan3A_16 = %scan3A_10 to %scan3A_12 step %scan3A_13  : i32 {
      %mul3A_17 = arith.constant 2 : i32
      %mul3A_18 = arith.muli %scan3A_16, %mul3A_17 : i32
      %add3A_19 = arith.constant 0 : i32
      %add3A_20 = arith.addi %add3A_19, %mul3A_18 : i32
      %dma_start3A = arith.constant 0 : i32
      %dma_start3A_21 = arith.constant 0 : i32
      %dma_start3A_22 = arith.constant 0 : i32
      %dma_start3A_23 = tpu.memref_slice %arg9[%dma_start3A, %dma_start3A_21, %dma_start3A_22] : memref<2x128x128xf32, #tpu.memory_space<vmem>> -> memref<1x128x128xf32, #tpu.memory_space<vmem>>
      %dma_start3A_24 = tpu.memref_squeeze %dma_start3A_23 : memref<1x128x128xf32, #tpu.memory_space<vmem>> -> memref<128x128xf32, #tpu.memory_space<vmem>>
      %dma_start3A_25 = arith.constant 0 : i32
      %dma_start3A_26 = tpu.memref_slice %arg7[%add3A_20, %dma_start3A_25] : memref<40x128xi32, #tpu.memory_space<vmem>> -> memref<1x128xi32, #tpu.memory_space<vmem>>
      %dma_start3A_27 = tpu.memref_squeeze %dma_start3A_26 : memref<1x128xi32, #tpu.memory_space<vmem>> -> memref<128xi32, #tpu.memory_space<vmem>>
      %dma_start3A_28 = arith.constant 0 : i32
      %dma_start3A_29 = arith.constant 0 : i32
      %dma_start3A_30 = tpu.memref_slice %arg2[%dma_start3A_28, %dma_start3A_29] : memref<10240x128xf32, #tpu.memory_space<hbm>> -> memref<10240x128xf32, #tpu.memory_space<hbm>>
      tpu.enqueue_indirect_dma source(%dma_start3A_30 : memref<10240x128xf32, #tpu.memory_space<hbm>>) target(%dma_start3A_24 : memref<128x128xf32, #tpu.memory_space<vmem>>) offsets(%dma_start3A_27 : memref<128xi32, #tpu.memory_space<vmem>>) semaphore(%arg11 : memref<!tpu.dma_semaphore, #tpu.memory_space<semaphore_mem>>)
      %add3A_31 = arith.constant 1 : i32
      %add3A_32 = arith.addi %add3A_20, %add3A_31 : i32
      %dma_start3A_33 = arith.constant 1 : i32
      %dma_start3A_34 = arith.constant 0 : i32
      %dma_start3A_35 = arith.constant 0 : i32
      %dma_start3A_36 = tpu.memref_slice %arg9[%dma_start3A_33, %dma_start3A_34, %dma_start3A_35] : memref<2x128x128xf32, #tpu.memory_space<vmem>> -> memref<1x128x128xf32, #tpu.memory_space<vmem>>
      %dma_start3A_37 = tpu.memref_squeeze %dma_start3A_36 : memref<1x128x128xf32, #tpu.memory_space<vmem>> -> memref<128x128xf32, #tpu.memory_space<vmem>>
      %dma_start3A_38 = arith.constant 0 : i32
      %dma_start3A_39 = tpu.memref_slice %arg7[%add3A_32, %dma_start3A_38] : memref<40x128xi32, #tpu.memory_space<vmem>> -> memref<1x128xi32, #tpu.memory_space<vmem>>
      %dma_start3A_40 = tpu.memref_squeeze %dma_start3A_39 : memref<1x128xi32, #tpu.memory_space<vmem>> -> memref<128xi32, #tpu.memory_space<vmem>>
      %dma_start3A_41 = arith.constant 0 : i32
      %dma_start3A_42 = arith.constant 0 : i32
      %dma_start3A_43 = tpu.memref_slice %arg2[%dma_start3A_41, %dma_start3A_42] : memref<10240x128xf32, #tpu.memory_space<hbm>> -> memref<10240x128xf32, #tpu.memory_space<hbm>>
      tpu.enqueue_indirect_dma source(%dma_start3A_43 : memref<10240x128xf32, #tpu.memory_space<hbm>>) target(%dma_start3A_37 : memref<128x128xf32, #tpu.memory_space<vmem>>) offsets(%dma_start3A_40 : memref<128xi32, #tpu.memory_space<vmem>>) semaphore(%arg12 : memref<!tpu.dma_semaphore, #tpu.memory_space<semaphore_mem>>)
      %dma_wait3A = arith.constant 0 : i32
      %dma_wait3A_44 = arith.constant 0 : i32
      %dma_wait3A_45 = arith.constant 0 : i32
      %dma_wait3A_46 = tpu.memref_slice %arg9[%dma_wait3A, %dma_wait3A_44, %dma_wait3A_45] : memref<2x128x128xf32, #tpu.memory_space<vmem>> -> memref<1x128x128xf32, #tpu.memory_space<vmem>>
      %dma_wait3A_47 = tpu.memref_squeeze %dma_wait3A_46 : memref<1x128x128xf32, #tpu.memory_space<vmem>> -> memref<128x128xf32, #tpu.memory_space<vmem>>
      %dma_wait3A_48 = arith.constant 0 : i32
      %dma_wait3A_49 = tpu.memref_slice %arg7[%add3A_20, %dma_wait3A_48] : memref<40x128xi32, #tpu.memory_space<vmem>> -> memref<1x128xi32, #tpu.memory_space<vmem>>
      %dma_wait3A_50 = tpu.memref_squeeze %dma_wait3A_49 : memref<1x128xi32, #tpu.memory_space<vmem>> -> memref<128xi32, #tpu.memory_space<vmem>>
      %dma_wait3A_51 = arith.constant 0 : i32
      %dma_wait3A_52 = arith.constant 0 : i32
      %dma_wait3A_53 = tpu.memref_slice %arg2[%dma_wait3A_51, %dma_wait3A_52] : memref<10240x128xf32, #tpu.memory_space<hbm>> -> memref<10240x128xf32, #tpu.memory_space<hbm>>
      tpu.wait_indirect_dma semaphore(%arg11 : memref<!tpu.dma_semaphore, #tpu.memory_space<semaphore_mem>>) src(%dma_wait3A_53 : memref<10240x128xf32, #tpu.memory_space<hbm>>) dst(%dma_wait3A_47 : memref<128x128xf32, #tpu.memory_space<vmem>>)
      %run_scoped3A_54 = arith.constant 0 : i32
      "tpu.region"() ({
        %run_scoped3A_69 = tpu.sem_alloc : memref<!tpu.dma_semaphore, #tpu.memory_space<semaphore_mem>>
        %dma_start3A_70 = arith.constant 0 : i32
        %dma_start3A_71 = arith.constant 0 : i32
        %dma_start3A_72 = tpu.memref_slice %arg9[%run_scoped3A_54, %dma_start3A_70, %dma_start3A_71] : memref<2x128x128xf32, #tpu.memory_space<vmem>> -> memref<1x128x128xf32, #tpu.memory_space<vmem>>
        %dma_start3A_73 = tpu.memref_squeeze %dma_start3A_72 : memref<1x128x128xf32, #tpu.memory_space<vmem>> -> memref<128x128xf32, #tpu.memory_space<vmem>>
        %dma_start3A_74 = arith.constant 0 : i32
        %dma_start3A_75 = tpu.memref_slice %arg8[%add3A_20, %dma_start3A_74] : memref<40x128xi32, #tpu.memory_space<vmem>> -> memref<1x128xi32, #tpu.memory_space<vmem>>
        %dma_start3A_76 = tpu.memref_squeeze %dma_start3A_75 : memref<1x128xi32, #tpu.memory_space<vmem>> -> memref<128xi32, #tpu.memory_space<vmem>>
        %dma_start3A_77 = arith.constant 0 : i32
        %dma_start3A_78 = arith.constant 0 : i32
        %dma_start3A_79 = tpu.memref_slice %arg10[%dma_start3A_77, %dma_start3A_78] : memref<10240x128xf32, #tpu.memory_space<vmem_shared>> -> memref<10240x128xf32, #tpu.memory_space<vmem_shared>>
        tpu.enqueue_indirect_dma source(%dma_start3A_73 : memref<128x128xf32, #tpu.memory_space<vmem>>) target(%dma_start3A_79 : memref<10240x128xf32, #tpu.memory_space<vmem_shared>>) offsets(%dma_start3A_76 : memref<128xi32, #tpu.memory_space<vmem>>) semaphore(%run_scoped3A_69 : memref<!tpu.dma_semaphore, #tpu.memory_space<semaphore_mem>>) {add = true}
        %dma_wait3A_80 = arith.constant 0 : i32
        %dma_wait3A_81 = arith.constant 0 : i32
        %dma_wait3A_82 = tpu.memref_slice %arg9[%run_scoped3A_54, %dma_wait3A_80, %dma_wait3A_81] : memref<2x128x128xf32, #tpu.memory_space<vmem>> -> memref<1x128x128xf32, #tpu.memory_space<vmem>>
        %dma_wait3A_83 = tpu.memref_squeeze %dma_wait3A_82 : memref<1x128x128xf32, #tpu.memory_space<vmem>> -> memref<128x128xf32, #tpu.memory_space<vmem>>
        %dma_wait3A_84 = arith.constant 0 : i32
        %dma_wait3A_85 = tpu.memref_slice %arg8[%add3A_20, %dma_wait3A_84] : memref<40x128xi32, #tpu.memory_space<vmem>> -> memref<1x128xi32, #tpu.memory_space<vmem>>
        %dma_wait3A_86 = tpu.memref_squeeze %dma_wait3A_85 : memref<1x128xi32, #tpu.memory_space<vmem>> -> memref<128xi32, #tpu.memory_space<vmem>>
        %dma_wait3A_87 = arith.constant 0 : i32
        %dma_wait3A_88 = arith.constant 0 : i32
        %dma_wait3A_89 = tpu.memref_slice %arg10[%dma_wait3A_87, %dma_wait3A_88] : memref<10240x128xf32, #tpu.memory_space<vmem_shared>> -> memref<10240x128xf32, #tpu.memory_space<vmem_shared>>
        tpu.wait_indirect_dma semaphore(%run_scoped3A_69 : memref<!tpu.dma_semaphore, #tpu.memory_space<semaphore_mem>>) src(%dma_wait3A_83 : memref<128x128xf32, #tpu.memory_space<vmem>>) dst(%dma_wait3A_89 : memref<10240x128xf32, #tpu.memory_space<vmem_shared>>)
        tpu.yield
      }) : () -> ()
      %dma_wait3A_55 = arith.constant 1 : i32
      %dma_wait3A_56 = arith.constant 0 : i32
      %dma_wait3A_57 = arith.constant 0 : i32
      %dma_wait3A_58 = tpu.memref_slice %arg9[%dma_wait3A_55, %dma_wait3A_56, %dma_wait3A_57] : memref<2x128x128xf32, #tpu.memory_space<vmem>> -> memref<1x128x128xf32, #tpu.memory_space<vmem>>
      %dma_wait3A_59 = tpu.memref_squeeze %dma_wait3A_58 : memref<1x128x128xf32, #tpu.memory_space<vmem>> -> memref<128x128xf32, #tpu.memory_space<vmem>>
      %dma_wait3A_60 = arith.constant 0 : i32
      %dma_wait3A_61 = tpu.memref_slice %arg7[%add3A_32, %dma_wait3A_60] : memref<40x128xi32, #tpu.memory_space<vmem>> -> memref<1x128xi32, #tpu.memory_space<vmem>>
      %dma_wait3A_62 = tpu.memref_squeeze %dma_wait3A_61 : memref<1x128xi32, #tpu.memory_space<vmem>> -> memref<128xi32, #tpu.memory_space<vmem>>
      %dma_wait3A_63 = arith.constant 0 : i32
      %dma_wait3A_64 = arith.constant 0 : i32
      %dma_wait3A_65 = tpu.memref_slice %arg2[%dma_wait3A_63, %dma_wait3A_64] : memref<10240x128xf32, #tpu.memory_space<hbm>> -> memref<10240x128xf32, #tpu.memory_space<hbm>>
      tpu.wait_indirect_dma semaphore(%arg12 : memref<!tpu.dma_semaphore, #tpu.memory_space<semaphore_mem>>) src(%dma_wait3A_65 : memref<10240x128xf32, #tpu.memory_space<hbm>>) dst(%dma_wait3A_59 : memref<128x128xf32, #tpu.memory_space<vmem>>)
      %add3A_66 = arith.constant 1 : i32
      %add3A_67 = arith.addi %add3A_20, %add3A_66 : i32
      %run_scoped3A_68 = arith.constant 1 : i32
      "tpu.region"() ({
        %run_scoped3A_69 = tpu.sem_alloc : memref<!tpu.dma_semaphore, #tpu.memory_space<semaphore_mem>>
        %dma_start3A_70 = arith.constant 0 : i32
        %dma_start3A_71 = arith.constant 0 : i32
        %dma_start3A_72 = tpu.memref_slice %arg9[%run_scoped3A_68, %dma_start3A_70, %dma_start3A_71] : memref<2x128x128xf32, #tpu.memory_space<vmem>> -> memref<1x128x128xf32, #tpu.memory_space<vmem>>
        %dma_start3A_73 = tpu.memref_squeeze %dma_start3A_72 : memref<1x128x128xf32, #tpu.memory_space<vmem>> -> memref<128x128xf32, #tpu.memory_space<vmem>>
        %dma_start3A_74 = arith.constant 0 : i32
        %dma_start3A_75 = tpu.memref_slice %arg8[%add3A_67, %dma_start3A_74] : memref<40x128xi32, #tpu.memory_space<vmem>> -> memref<1x128xi32, #tpu.memory_space<vmem>>
        %dma_start3A_76 = tpu.memref_squeeze %dma_start3A_75 : memref<1x128xi32, #tpu.memory_space<vmem>> -> memref<128xi32, #tpu.memory_space<vmem>>
        %dma_start3A_77 = arith.constant 0 : i32
        %dma_start3A_78 = arith.constant 0 : i32
        %dma_start3A_79 = tpu.memref_slice %arg10[%dma_start3A_77, %dma_start3A_78] : memref<10240x128xf32, #tpu.memory_space<vmem_shared>> -> memref<10240x128xf32, #tpu.memory_space<vmem_shared>>
        tpu.enqueue_indirect_dma source(%dma_start3A_73 : memref<128x128xf32, #tpu.memory_space<vmem>>) target(%dma_start3A_79 : memref<10240x128xf32, #tpu.memory_space<vmem_shared>>) offsets(%dma_start3A_76 : memref<128xi32, #tpu.memory_space<vmem>>) semaphore(%run_scoped3A_69 : memref<!tpu.dma_semaphore, #tpu.memory_space<semaphore_mem>>) {add = true}
        %dma_wait3A_80 = arith.constant 0 : i32
        %dma_wait3A_81 = arith.constant 0 : i32
        %dma_wait3A_82 = tpu.memref_slice %arg9[%run_scoped3A_68, %dma_wait3A_80, %dma_wait3A_81] : memref<2x128x128xf32, #tpu.memory_space<vmem>> -> memref<1x128x128xf32, #tpu.memory_space<vmem>>
        %dma_wait3A_83 = tpu.memref_squeeze %dma_wait3A_82 : memref<1x128x128xf32, #tpu.memory_space<vmem>> -> memref<128x128xf32, #tpu.memory_space<vmem>>
        %dma_wait3A_84 = arith.constant 0 : i32
        %dma_wait3A_85 = tpu.memref_slice %arg8[%add3A_67, %dma_wait3A_84] : memref<40x128xi32, #tpu.memory_space<vmem>> -> memref<1x128xi32, #tpu.memory_space<vmem>>
        %dma_wait3A_86 = tpu.memref_squeeze %dma_wait3A_85 : memref<1x128xi32, #tpu.memory_space<vmem>> -> memref<128xi32, #tpu.memory_space<vmem>>
        %dma_wait3A_87 = arith.constant 0 : i32
        %dma_wait3A_88 = arith.constant 0 : i32
        %dma_wait3A_89 = tpu.memref_slice %arg10[%dma_wait3A_87, %dma_wait3A_88] : memref<10240x128xf32, #tpu.memory_space<vmem_shared>> -> memref<10240x128xf32, #tpu.memory_space<vmem_shared>>
        tpu.wait_indirect_dma semaphore(%run_scoped3A_69 : memref<!tpu.dma_semaphore, #tpu.memory_space<semaphore_mem>>) src(%dma_wait3A_83 : memref<128x128xf32, #tpu.memory_space<vmem>>) dst(%dma_wait3A_89 : memref<10240x128xf32, #tpu.memory_space<vmem_shared>>)
        tpu.yield
      }) : () -> ()
    }
    %scan3A_14 = arith.constant 20 : i32
    %barrier3A_15 = arith.constant 0 : index
    tpu.barrier barrier_id(%barrier3A_15)
    "tpu.region"() ({
      %run_scoped3A_16 = tpu.sem_alloc : memref<!tpu.dma_semaphore, #tpu.memory_space<semaphore_mem>>
      %dma_start3A = arith.constant 0 : i32
      %dma_start3A_17 = tpu.memref_slice %arg6[%arg0, %mul3A_2, %dma_start3A] : memref<2x10240x128xf32, #tpu.memory_space<hbm>> -> memref<1x640x128xf32, #tpu.memory_space<hbm>>
      %dma_start3A_18 = tpu.memref_squeeze %dma_start3A_17 : memref<1x640x128xf32, #tpu.memory_space<hbm>> -> memref<640x128xf32, #tpu.memory_space<hbm>>
      %dma_start3A_19 = arith.constant 0 : i32
      %dma_start3A_20 = tpu.memref_slice %arg10[%mul3A_2, %dma_start3A_19] : memref<10240x128xf32, #tpu.memory_space<vmem_shared>> -> memref<640x128xf32, #tpu.memory_space<vmem_shared>>
      tpu.enqueue_dma source(%dma_start3A_20 : memref<640x128xf32, #tpu.memory_space<vmem_shared>>) target(%dma_start3A_18 : memref<640x128xf32, #tpu.memory_space<hbm>>) target_semaphore(%run_scoped3A_16 : memref<!tpu.dma_semaphore, #tpu.memory_space<semaphore_mem>>)
      %dma_wait3A = arith.constant 0 : i32
      %dma_wait3A_21 = tpu.memref_slice %arg6[%arg0, %mul3A_2, %dma_wait3A] : memref<2x10240x128xf32, #tpu.memory_space<hbm>> -> memref<1x640x128xf32, #tpu.memory_space<hbm>>
      %dma_wait3A_22 = tpu.memref_squeeze %dma_wait3A_21 : memref<1x640x128xf32, #tpu.memory_space<hbm>> -> memref<640x128xf32, #tpu.memory_space<hbm>>
      %dma_wait3A_23 = arith.constant 0 : i32
      %dma_wait3A_24 = tpu.memref_slice %arg10[%mul3A_2, %dma_wait3A_23] : memref<10240x128xf32, #tpu.memory_space<vmem_shared>> -> memref<640x128xf32, #tpu.memory_space<vmem_shared>>
      tpu.wait_dma2 semaphore(%run_scoped3A_16 : memref<!tpu.dma_semaphore, #tpu.memory_space<semaphore_mem>>) src(%dma_wait3A_24 : memref<640x128xf32, #tpu.memory_space<vmem_shared>>) dst(%dma_wait3A_22 : memref<640x128xf32, #tpu.memory_space<hbm>>)
      tpu.yield
    }) : () -> ()
    return
  }
}

module attributes {stable_mosaic.version = 14 : i64} {
  func.func @_linear_body(%arg0: i32, %arg1: memref<1024x128xf32, #tpu.memory_space<vmem>>, %arg2: memref<128x128xf32, #tpu.memory_space<vmem>>, %arg3: memref<1x128xf32, #tpu.memory_space<vmem>>, %arg4: memref<1024x128xf32, #tpu.memory_space<vmem>>) attributes {dimension_semantics = [#tpu.dimension_semantics<arbitrary>], iteration_bounds = array<i64: 10>, scalar_prefetch = 0 : i64, scratch_operands = 0 : i64, tpu.core_type = #tpu.core_type<tc>, window_params = [{transform_indices = @transform_0, window_bounds = array<i64: 1024, 128>}, {pipeline_mode = #tpu.pipeline_mode<synchronous>, transform_indices = @transform_1, window_bounds = array<i64: 128, 128>}, {pipeline_mode = #tpu.pipeline_mode<synchronous>, transform_indices = @transform_2, window_bounds = array<i64: 1, 128>}, {transform_indices = @transform_3, window_bounds = array<i64: 1024, 128>}]} {
    %get3A = arith.constant 0 : index
    %get3A_0 = arith.constant 0 : index
    %get3A_1 = vector.load %arg1[%get3A, %get3A_0] : memref<1024x128xf32, #tpu.memory_space<vmem>>, vector<1024x128xf32>
    %get3A_2 = arith.constant 0 : index
    %get3A_3 = arith.constant 0 : index
    %get3A_4 = vector.load %arg2[%get3A_2, %get3A_3] : memref<128x128xf32, #tpu.memory_space<vmem>>, vector<128x128xf32>
    %dot_general3A = arith.constant dense<0.000000e+00> : vector<1024x128xf32>
    %dot_general3A_5 = tpu.matmul %get3A_1, %get3A_4, %dot_general3A {dimension_numbers = #tpu.dot_dimension_numbers<[1], [0], [0], [1], [0, 0, 1, 1], [], []>, transpose_lhs_hint = false} : vector<1024x128xf32>, vector<128x128xf32>, vector<1024x128xf32> -> vector<1024x128xf32>
    %get3A_6 = arith.constant 0 : index
    %get3A_7 = arith.constant 0 : index
    %get3A_8 = vector.load %arg3[%get3A_6, %get3A_7] : memref<1x128xf32, #tpu.memory_space<vmem>>, vector<1x128xf32>
    %add3A = vector.broadcast %get3A_8 : vector<1x128xf32> to vector<1024x128xf32>
    %add3A_9 = arith.addf %dot_general3A_5, %add3A : vector<1024x128xf32>
    %swap3A = arith.constant 0 : index
    %swap3A_10 = arith.constant 0 : index
    %swap3A_11 = vector.load %arg4[%swap3A, %swap3A_10] : memref<1024x128xf32, #tpu.memory_space<vmem>>, vector<1024x128xf32>
    tpu.vector_store %arg4[%swap3A, %swap3A_10], %add3A_9 {strides = array<i32>} : memref<1024x128xf32, #tpu.memory_space<vmem>>, vector<1024x128xf32>,
    return
  }
  func.func @transform_0(%arg0: i32) -> (i32, i32) {
    %c0_i32 = arith.constant 0 : i32
    %c0_i32_0 = arith.constant 0 : i32
    return %arg0, %c0_i32 : i32, i32
  }
  func.func @transform_1(%arg0: i32) -> (i32, i32) {
    %c0_i32 = arith.constant 0 : i32
    %c0_i32_0 = arith.constant 0 : i32
    %c0_i32_1 = arith.constant 0 : i32
    return %c0_i32, %c0_i32_0 : i32, i32
  }
  func.func @transform_2(%arg0: i32) -> (i32, i32) {
    %c0_i32 = arith.constant 0 : i32
    %c0_i32_0 = arith.constant 0 : i32
    %c0_i32_1 = arith.constant 0 : i32
    return %c0_i32, %c0_i32_0 : i32, i32
  }
  func.func @transform_3(%arg0: i32) -> (i32, i32) {
    %c0_i32 = arith.constant 0 : i32
    %c0_i32_0 = arith.constant 0 : i32
    return %arg0, %c0_i32 : i32, i32
  }
}

module attributes {stable_mosaic.version = 14 : i64} {
  func.func @_counts_body(%arg0: i32, %arg1: memref<4000x1xi32, #tpu.memory_space<vmem>>, %arg2: memref<80x128xf32, #tpu.memory_space<vmem>>) attributes {dimension_semantics = [#tpu.dimension_semantics<arbitrary>], iteration_bounds = array<i64: 80>, scalar_prefetch = 0 : i64, scratch_operands = 0 : i64, tpu.core_type = #tpu.core_type<tc>, window_params = [{transform_indices = @transform_0, window_bounds = array<i64: 4000, 1>}, {pipeline_mode = #tpu.pipeline_mode<synchronous>, transform_indices = @transform_1, window_bounds = array<i64: 80, 128>}]} {
    %get3A = arith.constant 0 : index
    %get3A_0 = arith.constant 0 : index
    %get3A_1 = vector.load %arg1[%get3A, %get3A_0] : memref<4000x1xi32, #tpu.memory_space<vmem>>, vector<4000x1xi32>
    %iota3A = tpu.iota {dimensions = array<i32: 1>} : vector<1x80xi32>
    %iota3A_2 = tpu.iota {dimensions = array<i32: 1>} : vector<1x128xi32>
    %shift_right_logical3A = arith.constant 7 : i32
    %shift_right_logical3A_3 = vector.broadcast %shift_right_logical3A : i32 to vector<4000x1xi32>
    %shift_right_logical3A_4 = arith.shrui %get3A_1, %shift_right_logical3A_3 : vector<4000x1xi32>
    %eq3A = vector.broadcast %shift_right_logical3A_4 : vector<4000x1xi32> to vector<4000x80xi32>
    %eq3A_5 = vector.broadcast %iota3A : vector<1x80xi32> to vector<4000x80xi32>
    %eq3A_6 = arith.cmpi eq, %eq3A, %eq3A_5 : vector<4000x80xi32>
    %convert_element_type3A = arith.extui %eq3A_6 : vector<4000x80xi1> to vector<4000x80xi32>
    %convert_element_type3A_7 = arith.sitofp %convert_element_type3A : vector<4000x80xi32> to vector<4000x80xf32>
    %convert_element_type3A_8 = arith.truncf %convert_element_type3A_7 : vector<4000x80xf32> to vector<4000x80xbf16>
    %and3A = arith.constant 127 : i32
    %and3A_9 = vector.broadcast %and3A : i32 to vector<4000x1xi32>
    %and3A_10 = arith.andi %get3A_1, %and3A_9 : vector<4000x1xi32>
    %eq3A_11 = vector.broadcast %and3A_10 : vector<4000x1xi32> to vector<4000x128xi32>
    %eq3A_12 = vector.broadcast %iota3A_2 : vector<1x128xi32> to vector<4000x128xi32>
    %eq3A_13 = arith.cmpi eq, %eq3A_11, %eq3A_12 : vector<4000x128xi32>
    %convert_element_type3A_14 = arith.extui %eq3A_13 : vector<4000x128xi1> to vector<4000x128xi32>
    %convert_element_type3A_15 = arith.sitofp %convert_element_type3A_14 : vector<4000x128xi32> to vector<4000x128xf32>
    %convert_element_type3A_16 = arith.truncf %convert_element_type3A_15 : vector<4000x128xf32> to vector<4000x128xbf16>
    %dot_general3A = arith.constant dense<0.000000e+00> : vector<80x128xf32>
    %dot_general3A_17 = tpu.matmul %convert_element_type3A_8, %convert_element_type3A_16, %dot_general3A {dimension_numbers = #tpu.dot_dimension_numbers<[0], [0], [1], [1], [0, 1, 1, 1], [], []>, transpose_lhs_hint = false} : vector<4000x80xbf16>, vector<4000x128xbf16>, vector<80x128xf32> -> vector<80x128xf32>
    %eq3A_18 = arith.constant 0 : i32
    %eq3A_19 = arith.cmpi eq, %arg0, %eq3A_18 : i32
    %convert_element_type3A_20 = arith.extui %eq3A_19 : i1 to i32
    %cond3A = arith.constant 0 : i32
    %cond3A_21 = arith.cmpi ne, %convert_element_type3A_20, %cond3A : i32
    scf.if %cond3A_21 {
      %broadcast_in_dim3A = arith.constant 0.000000e+00 : f32
      %broadcast_in_dim3A_27 = vector.broadcast %broadcast_in_dim3A : f32 to vector<80x128xf32>
      %swap3A_28 = arith.constant 0 : index
      %swap3A_29 = arith.constant 0 : index
      %swap3A_30 = vector.load %arg2[%swap3A_28, %swap3A_29] : memref<80x128xf32, #tpu.memory_space<vmem>>, vector<80x128xf32>
      tpu.vector_store %arg2[%swap3A_28, %swap3A_29], %broadcast_in_dim3A_27 {strides = array<i32>} : memref<80x128xf32, #tpu.memory_space<vmem>>, vector<80x128xf32>,
    } else {
    }
    %get3A_22 = arith.constant 0 : index
    %get3A_23 = arith.constant 0 : index
    %get3A_24 = vector.load %arg2[%get3A_22, %get3A_23] : memref<80x128xf32, #tpu.memory_space<vmem>>, vector<80x128xf32>
    %add3A = arith.addf %get3A_24, %dot_general3A_17 : vector<80x128xf32>
    %swap3A = arith.constant 0 : index
    %swap3A_25 = arith.constant 0 : index
    %swap3A_26 = vector.load %arg2[%swap3A, %swap3A_25] : memref<80x128xf32, #tpu.memory_space<vmem>>, vector<80x128xf32>
    tpu.vector_store %arg2[%swap3A, %swap3A_25], %add3A {strides = array<i32>} : memref<80x128xf32, #tpu.memory_space<vmem>>, vector<80x128xf32>,
    return
  }
  func.func @transform_0(%arg0: i32) -> (i32, i32) {
    %c0_i32 = arith.constant 0 : i32
    %c0_i32_0 = arith.constant 0 : i32
    return %arg0, %c0_i32 : i32, i32
  }
  func.func @transform_1(%arg0: i32) -> (i32, i32) {
    %c0_i32 = arith.constant 0 : i32
    %c0_i32_0 = arith.constant 0 : i32
    %c0_i32_1 = arith.constant 0 : i32
    return %c0_i32, %c0_i32_0 : i32, i32
  }
}

module attributes {stable_mosaic.version = 14 : i64} {
  func.func @_merge_linear_body(%arg0: i32, %arg1: memref<2x1024x128xf32, #tpu.memory_space<vmem>>, %arg2: memref<1024x1xf32, #tpu.memory_space<vmem>>, %arg3: memref<1024x128xf32, #tpu.memory_space<vmem>>, %arg4: memref<128x128xf32, #tpu.memory_space<vmem>>, %arg5: memref<1x128xf32, #tpu.memory_space<vmem>>, %arg6: memref<1024x128xf32, #tpu.memory_space<vmem>>) attributes {dimension_semantics = [#tpu.dimension_semantics<arbitrary>], iteration_bounds = array<i64: 10>, scalar_prefetch = 0 : i64, scratch_operands = 0 : i64, tpu.core_type = #tpu.core_type<tc>, window_params = [{transform_indices = @transform_0, window_bounds = array<i64: 2, 1024, 128>}, {transform_indices = @transform_1, window_bounds = array<i64: 1024, 1>}, {transform_indices = @transform_2, window_bounds = array<i64: 1024, 128>}, {pipeline_mode = #tpu.pipeline_mode<synchronous>, transform_indices = @transform_3, window_bounds = array<i64: 128, 128>}, {pipeline_mode = #tpu.pipeline_mode<synchronous>, transform_indices = @transform_4, window_bounds = array<i64: 1, 128>}, {transform_indices = @transform_5, window_bounds = array<i64: 1024, 128>}]} {
    %get3A = arith.constant 0 : index
    %get3A_0 = arith.constant 0 : index
    %get3A_1 = arith.constant 0 : index
    %get3A_2 = vector.load %arg1[%get3A, %get3A_0, %get3A_1] : memref<2x1024x128xf32, #tpu.memory_space<vmem>>, vector<1x1024x128xf32>
    %get3A_3 = vector.shape_cast %get3A_2 : vector<1x1024x128xf32> to vector<1024x128xf32>
    %get3A_4 = arith.constant 1 : index
    %get3A_5 = arith.constant 0 : index
    %get3A_6 = arith.constant 0 : index
    %get3A_7 = vector.load %arg1[%get3A_4, %get3A_5, %get3A_6] : memref<2x1024x128xf32, #tpu.memory_space<vmem>>, vector<1x1024x128xf32>
    %get3A_8 = vector.shape_cast %get3A_7 : vector<1x1024x128xf32> to vector<1024x128xf32>
    %add3A = arith.addf %get3A_3, %get3A_8 : vector<1024x128xf32>
    %get3A_9 = arith.constant 0 : index
    %get3A_10 = arith.constant 0 : index
    %get3A_11 = vector.load %arg2[%get3A_9, %get3A_10] : memref<1024x1xf32, #tpu.memory_space<vmem>>, vector<1024x1xf32>
    %max3A = arith.constant 1.000000e+00 : f32
    %max3A_12 = vector.broadcast %max3A : f32 to vector<1024x1xf32>
    %max3A_13 = arith.maximumf %get3A_11, %max3A_12 : vector<1024x1xf32>
    %div3A = vector.broadcast %max3A_13 : vector<1024x1xf32> to vector<1024x128xf32>
    %div3A_14 = arith.divf %add3A, %div3A : vector<1024x128xf32>
    %max3A_15 = arith.constant 0.000000e+00 : f32
    %max3A_16 = vector.broadcast %max3A_15 : f32 to vector<1024x128xf32>
    %max3A_17 = arith.maximumf %div3A_14, %max3A_16 : vector<1024x128xf32>
    %get3A_18 = arith.constant 0 : index
    %get3A_19 = arith.constant 0 : index
    %get3A_20 = vector.load %arg3[%get3A_18, %get3A_19] : memref<1024x128xf32, #tpu.memory_space<vmem>>, vector<1024x128xf32>
    %add3A_21 = arith.addf %max3A_17, %get3A_20 : vector<1024x128xf32>
    %get3A_22 = arith.constant 0 : index
    %get3A_23 = arith.constant 0 : index
    %get3A_24 = vector.load %arg4[%get3A_22, %get3A_23] : memref<128x128xf32, #tpu.memory_space<vmem>>, vector<128x128xf32>
    %dot_general3A = arith.constant dense<0.000000e+00> : vector<1024x128xf32>
    %dot_general3A_25 = tpu.matmul %add3A_21, %get3A_24, %dot_general3A {dimension_numbers = #tpu.dot_dimension_numbers<[1], [0], [0], [1], [0, 0, 1, 1], [], []>, transpose_lhs_hint = false} : vector<1024x128xf32>, vector<128x128xf32>, vector<1024x128xf32> -> vector<1024x128xf32>
    %get3A_26 = arith.constant 0 : index
    %get3A_27 = arith.constant 0 : index
    %get3A_28 = vector.load %arg5[%get3A_26, %get3A_27] : memref<1x128xf32, #tpu.memory_space<vmem>>, vector<1x128xf32>
    %add3A_29 = vector.broadcast %get3A_28 : vector<1x128xf32> to vector<1024x128xf32>
    %add3A_30 = arith.addf %dot_general3A_25, %add3A_29 : vector<1024x128xf32>
    %swap3A = arith.constant 0 : index
    %swap3A_31 = arith.constant 0 : index
    %swap3A_32 = vector.load %arg6[%swap3A, %swap3A_31] : memref<1024x128xf32, #tpu.memory_space<vmem>>, vector<1024x128xf32>
    tpu.vector_store %arg6[%swap3A, %swap3A_31], %add3A_30 {strides = array<i32>} : memref<1024x128xf32, #tpu.memory_space<vmem>>, vector<1024x128xf32>,
    return
  }
  func.func @transform_0(%arg0: i32) -> (i32, i32, i32) {
    %c0_i32 = arith.constant 0 : i32
    %c0_i32_0 = arith.constant 0 : i32
    %c0_i32_1 = arith.constant 0 : i32
    return %c0_i32, %arg0, %c0_i32_0 : i32, i32, i32
  }
  func.func @transform_1(%arg0: i32) -> (i32, i32) {
    %c0_i32 = arith.constant 0 : i32
    %c0_i32_0 = arith.constant 0 : i32
    return %arg0, %c0_i32 : i32, i32
  }
  func.func @transform_2(%arg0: i32) -> (i32, i32) {
    %c0_i32 = arith.constant 0 : i32
    %c0_i32_0 = arith.constant 0 : i32
    return %arg0, %c0_i32 : i32, i32
  }
  func.func @transform_3(%arg0: i32) -> (i32, i32) {
    %c0_i32 = arith.constant 0 : i32
    %c0_i32_0 = arith.constant 0 : i32
    %c0_i32_1 = arith.constant 0 : i32
    return %c0_i32, %c0_i32_0 : i32, i32
  }
  func.func @transform_4(%arg0: i32) -> (i32, i32) {
    %c0_i32 = arith.constant 0 : i32
    %c0_i32_0 = arith.constant 0 : i32
    %c0_i32_1 = arith.constant 0 : i32
    return %c0_i32, %c0_i32_0 : i32, i32
  }
  func.func @transform_5(%arg0: i32) -> (i32, i32) {
    %c0_i32 = arith.constant 0 : i32
    %c0_i32_0 = arith.constant 0 : i32
    return %arg0, %c0_i32 : i32, i32
  }
}

module attributes {stable_mosaic.version = 14 : i64} {
  func.func @_merge_body(%arg0: i32, %arg1: memref<2x1024x128xf32, #tpu.memory_space<vmem>>, %arg2: memref<1024x1xf32, #tpu.memory_space<vmem>>, %arg3: memref<1024x128xf32, #tpu.memory_space<vmem>>, %arg4: memref<1024x128xf32, #tpu.memory_space<vmem>>) attributes {dimension_semantics = [#tpu.dimension_semantics<arbitrary>], iteration_bounds = array<i64: 10>, scalar_prefetch = 0 : i64, scratch_operands = 0 : i64, tpu.core_type = #tpu.core_type<tc>, window_params = [{transform_indices = @transform_0, window_bounds = array<i64: 2, 1024, 128>}, {transform_indices = @transform_1, window_bounds = array<i64: 1024, 1>}, {transform_indices = @transform_2, window_bounds = array<i64: 1024, 128>}, {transform_indices = @transform_3, window_bounds = array<i64: 1024, 128>}]} {
    %get3A = arith.constant 0 : index
    %get3A_0 = arith.constant 0 : index
    %get3A_1 = arith.constant 0 : index
    %get3A_2 = vector.load %arg1[%get3A, %get3A_0, %get3A_1] : memref<2x1024x128xf32, #tpu.memory_space<vmem>>, vector<1x1024x128xf32>
    %get3A_3 = vector.shape_cast %get3A_2 : vector<1x1024x128xf32> to vector<1024x128xf32>
    %get3A_4 = arith.constant 1 : index
    %get3A_5 = arith.constant 0 : index
    %get3A_6 = arith.constant 0 : index
    %get3A_7 = vector.load %arg1[%get3A_4, %get3A_5, %get3A_6] : memref<2x1024x128xf32, #tpu.memory_space<vmem>>, vector<1x1024x128xf32>
    %get3A_8 = vector.shape_cast %get3A_7 : vector<1x1024x128xf32> to vector<1024x128xf32>
    %add3A = arith.addf %get3A_3, %get3A_8 : vector<1024x128xf32>
    %get3A_9 = arith.constant 0 : index
    %get3A_10 = arith.constant 0 : index
    %get3A_11 = vector.load %arg2[%get3A_9, %get3A_10] : memref<1024x1xf32, #tpu.memory_space<vmem>>, vector<1024x1xf32>
    %max3A = arith.constant 1.000000e+00 : f32
    %max3A_12 = vector.broadcast %max3A : f32 to vector<1024x1xf32>
    %max3A_13 = arith.maximumf %get3A_11, %max3A_12 : vector<1024x1xf32>
    %div3A = vector.broadcast %max3A_13 : vector<1024x1xf32> to vector<1024x128xf32>
    %div3A_14 = arith.divf %add3A, %div3A : vector<1024x128xf32>
    %max3A_15 = arith.constant 0.000000e+00 : f32
    %max3A_16 = vector.broadcast %max3A_15 : f32 to vector<1024x128xf32>
    %max3A_17 = arith.maximumf %div3A_14, %max3A_16 : vector<1024x128xf32>
    %get3A_18 = arith.constant 0 : index
    %get3A_19 = arith.constant 0 : index
    %get3A_20 = vector.load %arg3[%get3A_18, %get3A_19] : memref<1024x128xf32, #tpu.memory_space<vmem>>, vector<1024x128xf32>
    %add3A_21 = arith.addf %max3A_17, %get3A_20 : vector<1024x128xf32>
    %swap3A = arith.constant 0 : index
    %swap3A_22 = arith.constant 0 : index
    %swap3A_23 = vector.load %arg4[%swap3A, %swap3A_22] : memref<1024x128xf32, #tpu.memory_space<vmem>>, vector<1024x128xf32>
    tpu.vector_store %arg4[%swap3A, %swap3A_22], %add3A_21 {strides = array<i32>} : memref<1024x128xf32, #tpu.memory_space<vmem>>, vector<1024x128xf32>,
    return
  }
  func.func @transform_0(%arg0: i32) -> (i32, i32, i32) {
    %c0_i32 = arith.constant 0 : i32
    %c0_i32_0 = arith.constant 0 : i32
    %c0_i32_1 = arith.constant 0 : i32
    return %c0_i32, %arg0, %c0_i32_0 : i32, i32, i32
  }
  func.func @transform_1(%arg0: i32) -> (i32, i32) {
    %c0_i32 = arith.constant 0 : i32
    %c0_i32_0 = arith.constant 0 : i32
    return %arg0, %c0_i32 : i32, i32
  }
  func.func @transform_2(%arg0: i32) -> (i32, i32) {
    %c0_i32 = arith.constant 0 : i32
    %c0_i32_0 = arith.constant 0 : i32
    return %arg0, %c0_i32 : i32, i32
  }
  func.func @transform_3(%arg0: i32) -> (i32, i32) {
    %c0_i32 = arith.constant 0 : i32
    %c0_i32_0 = arith.constant 0 : i32
    return %arg0, %c0_i32 : i32, i32
  }
}

</mosaic_0001>

<sc_bundles>
// kernel: kernel.11.cloned.1.call-start
scs
__scs_entry_jumppad:
0x0: {  	(pc) =	sbr.rel $0x88, $3  }
0x1: {  	(tag) =	ssettag $0x0;
	lr =	simm.s32 $0x1  }
0x2: {  	[smem:$0x3F9B] =	sst lr;
	_ =	strace $0xD0000000  }
0x3: {  	_ = 	snop  }
0x4: {  	_ = 	snop  }
0x5: {  	_ = 	snop  }
0x6: {  	_ = 	snop  }
0x7: {  	_ = 	snop  }
__scs_overlays_trampoline_lowered:
0x8: {  	[smem:$0x3FAA] =	sst s0  }
0x9: {  	[smem:$0x3FAB] =	sst s1  }
0xa: {  	[smem:$0x3FAC] =	sst s2  }
0xb: {  	[smem:$0x3FAD] =	sst s3  }
0xc: {  	[smem:$0x3FAE] =	sst s4  }
0xd: {  	[smem:$0x3FAF] =	sst s5  }
0xe: {  	[smem:$0x3FB0] =	sst s6  }
0xf: {  	[smem:$0x3FB1] =	sst s7  }
0x10: {  	[smem:$0x3FB2] =	sst s8  }
0x11: {  	[smem:$0x3FB3] =	sst s9;
	s0 =	simm.s32 @!p0 $0x0  }
0x12: {  	s1 =	sld [smem:$0x3F99];
	s0 =	simm.s32 @p0 $0x1  }
0x13: {  	[smem:$0x3FB4] =	sst s0;
	s0 =	simm.s32 @!p1 $0x0  }
0x14: {  	s2 =	sld [smem:$0x3F98];
	s0 =	simm.s32 @p1 $0x1  }
0x15: {  	[smem:$0x3FB5] =	sst s0;
	s0 =	simm.s32 @!p2 $0x0  }
0x16: {  	s3 =	sld [smem:$0x3FDB];
	s0 =	simm.s32 @p2 $0x1  }
0x17: {  	s4 =	simm.s32 $0x1BF5;
	[smem:$0x3FB7] =	sst s0  }
0x18: {  	s0 =	sld [smem:$0x3F9A];
	_ =	swait.ge [sflag:s4], $0x0  }
0x19: {  	s7 =	sld [smem:$0x3F9B]  }
0x1a: {  	s8 =	sadd.s32 $0xFFFFE003, lr  }
0x1b: {  	s9 =	sadd.s32 $0xFFFFFEF7, lr;
	s5 =	simm.s32 $0xFFFFFFFF;
	p2 =	slt.u32 s8, $0xFFFFF086  }
0x1c: {  	p1 =	slt.u32 s9, $0xF7A;
	s5 =	simm.s32 @!p2 $0x0  }
0x1d: {  	s5 =	simm.s32 @p1 $0x1;
	p0 =	seq.s32 s7, s2  }
0x1e: {  	s7 =	smul.u32 @!p0 $0xF7A, s2;
	p2 =	seq.s32 @!p0 s5, $0x0  }
0x1f: {  	s9 =	smul.u32 $0xF7A, s1;
	s8 =	simm.s32 @!p0 $0x1BF5;
	p2 =	por !p2, p0  }
0x20: {  	[sflag:s8] =	ssyncset.s32 @!p0 $0xFFFFF086;
	s6 =	sadd.s32 @!p0 s3, s7;
	s7 =	simm.s32 @!p0 $0x108  }
0x21: {  	s3 =	sadd.s32 s3, s9;
	s6 =	sadd.s32 @!p0 $0x88, s6;
	s7 =	simm.s32 @p2 $0x1082  }
0x22: {  	[simem:s7], [sflag:s8] =	dma.local @!p0 [hbm:s6], $0xF7A  }
0x23: {  	s9 =	sor.u32 $0xD0000000, s2;
	s6 =	simm.s32 $0x108;
	_ =	swait.ge @!p0 [sflag:s8], $0x0  }
0x24: {  	s3 =	sadd.s32 $0x88, s3;
	s6 =	simm.s32 @!p1 $0x1082;
	[sflag:s4] =	ssyncset.s32 $0xFFFFF086  }
0x25: {  	[simem:s6], [sflag:s4] =	dma.local [hbm:s3], $0xF7A  }
0x26: {  	[smem:$0x3F9B] =	sst s1;
	(tag) =	ssettag s2;
	_ =	strace s9  }
0x27: {  	s1 =	sld [smem:$0x3FAB]  }
0x28: {  	s2 =	sld [smem:$0x3FAC]  }
0x29: {  	s4 =	sld [smem:$0x3FAE]  }
0x2a: {  	p0 =	seq.s32 s5, $0x0;
	s5 =	sld [smem:$0x3FAF]  }
0x2b: {  	s6 =	sld [smem:$0x3FB0]  }
0x2c: {  	s7 =	sld [smem:$0x3FB1]  }
0x2d: {  	s3 =	simm.s32 $0x108;
	s8 =	sld [smem:$0x3FB2]  }
0x2e: {  	s3 =	simm.s32 @!p0 $0x1082;
	s9 =	sld [smem:$0x3FB3]  }
0x2f: {  	lr =	sadd.s32 s0, s3;
	s0 =	sld [smem:$0x3FAA]  }
0x30: {  	s3 =	sld [smem:$0x3FAD]  }
0x31: {  	[smem:$0x3FB6] =	sst s10  }
0x32: {  	s10 =	sld [smem:$0x3FB4];
	_ =	sdelay $0x3  }
0x33: {  	p0 =	seq.s32 s10, $0x1;
	s10 =	sld [smem:$0x3FB6];
	_ =	sdelay $0x3  }
0x34: {  	[smem:$0x3FB6] =	sst s10  }
0x35: {  	s10 =	sld [smem:$0x3FB5];
	_ =	sdelay $0x3  }
0x36: {  	p1 =	seq.s32 s10, $0x1;
	s10 =	sld [smem:$0x3FB6];
	_ =	sdelay $0x3  }
0x37: {  	[smem:$0x3FB6] =	sst s10  }
0x38: {  	s10 =	sld [smem:$0x3FB7]  }
0x39: {  	_ = 	snop;
	(pc) =	sbr.ind lr, $3  }
0x3a: {  	_ = 	snop  }
0x3b: {  	_ = 	snop  }
0x3c: {  	p2 =	seq.s32 s10, $0x1;
	s10 =	sld [smem:$0x3FB6]  }
0x3d: {  	_ =	shalt  }
0x3e: {  	_ =	shalt  }
0x3f: {  	_ =	shalt  }
0x40: {  	_ =	shalt  }
0x41: {  	_ =	shalt  }
0x42: {  	_ =	shalt  }
0x43: {  	_ =	shalt  }
0x44: {  	_ =	shalt  }
0x45: {  	_ =	shalt  }
0x46: {  	_ =	shalt  }
0x47: {  	_ =	shalt  }
0x48: {  	_ =	shalt  }
0x49: {  	_ =	shalt  }
0x4a: {  	_ =	shalt  }
0x4b: {  	_ =	shalt  }
0x4c: {  	_ =	shalt  }
0x4d: {  	_ =	shalt  }
0x4e: {  	_ =	shalt  }
0x4f: {  	_ =	shalt  }
0x50: {  	_ =	shalt  }
0x51: {  	_ =	shalt  }
0x52: {  	_ =	shalt  }
0x53: {  	_ =	shalt  }
0x54: {  	_ =	shalt  }
0x55: {  	_ =	shalt  }
0x56: {  	_ =	shalt  }
0x57: {  	_ =	shalt  }
0x58: {  	_ =	shalt  }
0x59: {  	_ =	shalt  }
0x5a: {  	_ =	shalt  }
0x5b: {  	_ =	shalt  }
0x5c: {  	_ =	shalt  }
0x5d: {  	_ =	shalt  }
0x5e: {  	_ =	shalt  }
0x5f: {  	_ =	shalt  }
0x60: {  	_ =	shalt  }
0x61: {  	_ =	shalt  }
0x62: {  	_ =	shalt  }
0x63: {  	_ =	shalt  }
0x64: {  	_ =	shalt  }
0x65: {  	_ =	shalt  }
0x66: {  	_ =	shalt  }
0x67: {  	_ =	shalt  }
0x68: {  	_ =	shalt  }
0x69: {  	_ =	shalt  }
0x6a: {  	_ =	shalt  }
0x6b: {  	_ =	shalt  }
0x6c: {  	_ =	shalt  }
0x6d: {  	_ =	shalt  }
0x6e: {  	_ =	shalt  }
0x6f: {  	_ =	shalt  }
0x70: {  	_ =	shalt  }
0x71: {  	_ =	shalt  }
0x72: {  	_ =	shalt  }
0x73: {  	_ =	shalt  }
0x74: {  	_ =	shalt  }
0x75: {  	_ =	shalt  }
0x76: {  	_ =	shalt  }
0x77: {  	_ =	shalt  }
0x78: {  	_ =	shalt  }
0x79: {  	_ =	shalt  }
0x7a: {  	_ =	shalt  }
0x7b: {  	_ =	shalt  }
0x7c: {  	_ =	shalt  }
0x7d: {  	_ =	shalt  }
0x7e: {  	_ =	shalt  }
0x7f: {  	_ =	shalt  }
0x80: {  	_ =	shalt  }
0x81: {  	_ =	shalt  }
0x82: {  	_ =	shalt  }
0x83: {  	_ =	shalt  }
0x84: {  	_ =	shalt  }
0x85: {  	_ =	shalt  }
0x86: {  	_ =	shalt  }
0x87: {  	_ =	shalt  }
.Lfunc_end0:
.L_simem_size_0:
called_computation.1_lowered:
.L_overlay_start_0:
0x88: {  	s2 =	sld [smem:$0x3FD9]  }
0x89: {  	s3 =	sld [smem:$0x3FFE];
	_ =	sdelay $0x1  }
0x8a: {  	s1 =	srdreg.scid  }
0x8b: {  	s0 =	sand.u32 $0x1, s1  }
0x8c: {  	s17 =	sshll.u32 s0, $0xA;
	s2 =	sadd.s32 s3, s2  }
0x8d: {  	s2 =	sadd.s32 s2, s17  }
0x8e: {  	[smem:$0x3FC2] =	sst s2  }
0x8f: {  	_ = 	snop  }
0x90: {  	s2 =	sld [smem:$0x3FD0];
	(tm) =	ssettm $0x1  }
0x91: {  	s18 =	sld [smem:$0x3FFB];
	_ =	sdelay $0x3  }
0x92: {  	_ =	strace s18  }
0x93: {  	s3 =	sld [smem:$0x3FFC];
	_ =	sdelay $0x3  }
0x94: {  	_ =	strace s3  }
0x95: {  	s3 =	sld [smem:$0x3FFD];
	_ =	sdelay $0x3  }
0x96: {  	_ =	strace s3  }
0x97: {  	_ =	strace $0x8FFFFFFF  }
0x98: {  	s19 =	sld [smem:$0x3FDB];
	_ =	sdelay $0x1  }
0x99: {  	s4 =	simm.s32 $_scs_section_size  }
0x9a: {  	s5 =	simm.s32 $_size__tile_overlayer_lowered;
	s6 =	simm.s32 $_tile_overlayer_lowered  }
0x9b: {  	s22 =	simm.s32 $0x1BFF;
	s21 =	sshll.u32 s6, $0x1;
	s3 =	sadd.s32 s4, s19  }
0x9c: {  	s7 =	simm.s32 $0x0;
	s20 =	sshll.u32 s5, $0x1;
	s5 =	sadd.s32 s21, s3  }
0x9d: {  	[timem:s7], [sflag:s22] =	dma.local [hbm:s5], s20  }
0x9e: {  	_ =	swait.ge [sflag:s22], s20  }
0x9f: {  	s4 =	ssub.s32 $0x0, s20;
	[sflag:s22] =	ssyncset.done $0x0  }
0xa0: {  	[sflag:s22] =	ssyncadd.s32 s4;
	_ =	sdelay $0x1  }
0xa1: {  	s23 =	simm.s32 $0x1B8B  }
0xa2: {  	_ =	swait.ge [sflag:s23], $0x1  }
0xa3: {  	[sflag:s23] =	ssyncset.done $0x0  }
0xa4: {  	s25 =	simm.s32 $0x1B8E;
	s24 =	sld [smem:$0x3FFE];
	[sflag:s23] =	ssyncadd.s32 $0xFFFFFFFF  }
0xa5: {  	s26 =	simm.s32 $execute0_lowered;
	[smem:$0x3FD2] =	sst s25  }
0xa6: {  	s5 =	sshll.u32 s26, $0x1;
	_ =	strace $0x80000049;
	[dreg:$0x1] =	wrdreg $0xFFFFFFFF  }
0xa7: {  	s28 =	simm.s32 $_size_execute0_lowered;
	s3 =	sadd.s32 s3, s5;
	[dreg:$0x0] =	wrdreg $0x0  }
0xa8: {  	s5 =	sshll.u32 s28, $0x1;
	[dreg:$0x2] =	wrdreg s3  }
0xa9: {  	[dreg:$0x3] =	wrdreg s5  }
0xaa: {  	[dreg:$0x4] =	wrdreg $0xC0  }
0xab: {  	_ =	task [dreg:s7], $0x5FFFF  }
0xac: {  	[dreg:$0x1] =	wrdreg $0xFFFFFFFF  }
0xad: {  	[dreg:$0x0] =	wrdreg $0x60  }
0xae: {  	[dreg:$0x2] =	wrdreg s24  }
0xaf: {  	[dreg:$0x3] =	wrdreg s2  }
0xb0: {  	[dreg:$0x4] =	wrdreg $0xA8000  }
0xb1: {  	[dreg:$0x5] =	wrdreg $0x9  }
0xb2: {  	_ =	task.clear_ibuf [dreg:s7], $0x6FFFF;
	_ =	strace $0x90000049  }
0xb3: {  	s29 =	simm.s32 $0x9;
	_ =	strace $0x8000004B  }
0xb4: {  	_ =	swait.ge [sflag:s29], $0x1  }
0xb5: {  	[sflag:s29] =	ssyncadd.s32 $0xFFFFFFFF  }
0xb6: {  	_ =	strace $0x9000004B  }
0xb7: {  	_ =	sfence  }
0xb8: {  	s30 =	sld [smem:$0x0];
	_ =	sdelay $0x2  }
0xb9: {  	s31 =	sshll.u32 s1, $0xD;
	s1 =	sshrl.u32 s1, $0x2  }
0xba: {  	s3 =	sand.u32 $0x4000, s31;
	s1 =	sadd.s32 s1, s30  }
0xbb: {  	s0 =	sor.u32 s3, s0;
	s1 =	sshll.u32 s1, $0x11  }
0xbc: {  	s0 =	sor.u32 s1, s0  }
0xbd: {  	s0 =	sadd.s32 $0x8F2B, s0  }
0xbe: {  	[sflag:s0] =	ssyncadd.remote.s32 $0x1  }
0xbf: {  	_ =	sfence.sel $0xFFFF  }
0xc0: {  	[dreg:$0x0] =	wrdreg $0xFFFFFFFF;
	(pc) =	sbr.abs _section_cstart, $3  }
0xc1: {  	[dreg:$0x1] =	wrdreg $0xFFFFFFFF  }
0xc2: {  	_ =	task.clear_ibuf [dreg:s7], $0x2FFFF;
	_ =	strace $0x9FFFFFFF  }
0xc3: {  	(tm) =	ssettm $0x7FFFFFFF  }
tec
execute0_lowered:
.L_overlay_start_1:
0x0: {  	(tag) =	ssettag $0x1  }
0x1: {  	s5 =	rddreg [dreg:$0x0]  }
0x2: {  	s9 =	rddreg [dreg:$0x1]  }
0x3: {  	s2 =	rddreg [dreg:$0x2]  }
0x4: {  	s0 =	rddreg [dreg:$0x3];
	s3 =	simm.s32 $0x0;
	s1 =	stileid.u32  }
0x5: {  	s4 =	srdreg.scid;
	s15 =	simm.s32 $0x1400;
	s16 =	simm.s32 $0x80  }
0x6: {  	s17 =	simm.s32 $0x2800;
	s18 =	simm.s32 $0x6800;
	s19 =	simm.s32 $0x1  }
0x7: {  	s20 =	simm.s32 $0x2;
	s21 =	simm.s32 $0x0;
	[smem:$0x7FF] =	sst s3  }
0x8: {  	s6 =	smul.u32 $0x14000, s1;
	s7 =	sand.u32 $0x1, s4;
	s4 =	sadd.s32 $0x1A00, s5  }
0x9: {  	s10 =	sadd.s32 $0x29A00, s5;
	s25 =	sshll.u32 s1, $0x1;
	s13 =	smul.u32 $0x50000, s1  }
0xa: {  	s29 =	sshll.u32 s1, $0x6;
	_ =	strace $0x8000004A;
	s8 =	smul.u32 $0x140000, s7  }
0xb: {  	s12 =	ssub.s32 $0x2, s7;
	s7 =	sor.u32 s7, s25;
	s11 =	sshrl.u32 s6, $0x3  }
0xc: {  	s26 =	sshrl.u32 s12, $0x1;
	s7 =	smul.u32 $0x2800, s7;
	s28 =	sshrl.u32 s13, $0x2  }
0xd: {  	s11 =	sadd.s32 s11, s5;
	s6 =	sadd.s32 s6, s8;
	s12 =	ssub.s32 s12, s26  }
0xe: {  	s13 =	sadd.s32 s28, s2;
	s6 =	sshrl.u32 s6, $0x3;
	s30 =	sshrl.u32 s7, $0x3  }
0xf: {  	s12 =	smax.u32 s12, $0x1;
	s13 =	sshrl.u32 s13, $0x3;
	s14 =	sadd.s32 s6, s5  }
0x10: {  	s5 =	sadd.s32 $0x33A00, s11;
	s6 =	sor.u32 $0x1C03, s29;
	s31 =	sadd.s32 $0x280, s30  }
0x11: {  	s7 =	sadd.s32 s9, s30;
	s8 =	sadd.s32 s10, s30;
	s9 =	sadd.s32 s9, s31  }
0x12: {  	s10 =	sadd.s32 s10, s31;
	s11 =	sadd.s32 $0x5BA00, s14;
	s14 =	simm.s32 $0x3  }
.LBB2_1:
0x13: {  	[spmem:s13], [sflag:s6] =	dma.local [hbm:s5], $0x2800  }
0x14: {  	_ =	swait.ge [sflag:s14], $0x2800  }
0x15: {  	[sflag:s14] =	ssyncset.done $0x0  }
0x16: {  	[sflag:s14] =	ssyncadd.s32 $0xFFFFD800  }
0x17: {  	[bflag:$0x0] =	sbarrier.arrive $0xFFFF  }
0x18: {  	[tilespmem:s3], [sflag:$0x3] =	stream.linear.gather [hbm4b:s7+s3], $0x1400, $0x38;
	[tilespmem:$0x1E800] =	vst v63  }
0x19: {  	_ =	swait.ge [sflag:s14], $0x1400  }
0x1a: {  	[sflag:s14] =	ssyncset.done $0x0  }
0x1b: {  	[sflag:s14] =	ssyncadd.s32 $0xFFFFEC00  }
0x1c: {  	[tilespmem:s15], [sflag:$0x3] =	stream.linear.gather [hbm4b:s8+s3], $0x1400, $0x38;
	[tilespmem:$0x1E800] =	vst v63  }
0x1d: {  	_ =	swait.ge [sflag:s14], $0x1400  }
0x1e: {  	[sflag:s14] =	ssyncset.done $0x0  }
0x1f: {  	s22 =	simm.s32 $0x0;
	[sflag:s14] =	ssyncadd.s32 $0xFFFFEC00  }
0x20: {  	[tilespmem:s17], [sflag:$0x1] =	stream.indirect.gather [hbm4b:s4+s16], $0x80, s22, s16, $0xb8;
	[tilespmem:$0x1E800] =	vst v63  }
0x21: {  	s29 =	simm.s32 $0x80  }
0x22: {  	[tilespmem:s18], [sflag:$0x2] =	stream.indirect.gather [hbm4b:s4+s16], $0x80, s29, s16, $0xb8;
	[tilespmem:$0x1E800] =	vst v63  }
0x23: {  	_ =	swait.ge [sflag:s19], $0x4000  }
0x24: {  	[sflag:s19] =	ssyncset.done $0x0  }
0x25: {  	s30 =	simm.s32 $0x1400;
	[sflag:s19] =	ssyncadd.s32 $0xFFFFC000  }
0x26: {  	[spmem:s2] =	stream.indirect.scatter.add.f32 [tilespmem:s17], [sflag:$0x3], $0x80, s30, s16, $0xb8;
	[tilespmem:$0x1E800] =	vst v63  }
0x27: {  	_ =	swait.ge [sflag:s14], $0x4000  }
0x28: {  	[sflag:s14] =	ssyncset.done $0x0  }
0x29: {  	[sflag:s14] =	ssyncadd.s32 $0xFFFFC000  }
0x2a: {  	_ =	swait.ge [sflag:s20], $0x4000  }
0x2b: {  	[sflag:s20] =	ssyncset.done $0x0  }
0x2c: {  	s31 =	simm.s32 $0x1480;
	[sflag:s20] =	ssyncadd.s32 $0xFFFFC000  }
0x2d: {  	[spmem:s2] =	stream.indirect.scatter.add.f32 [tilespmem:s18], [sflag:$0x3], $0x80, s31, s16, $0xb8;
	[tilespmem:$0x1E800] =	vst v63  }
0x2e: {  	_ =	swait.ge [sflag:s14], $0x4000  }
0x2f: {  	s23 =	simm.s32 $0x800;
	s22 =	simm.s32 $0x400;
	[sflag:s14] =	ssyncset.done $0x0  }
.LBB2_2:
0x30: {  	s24 =	sshra.s32 s22, $0x2  }
0x31: {  	[sflag:s14] =	ssyncadd.s32 $0xFFFFC000;
	s22 =	smov.u32 s23;
	s25 =	sadd.s32 $0x400, s23  }
0x32: {  	[tilespmem:s17], [sflag:$0x1] =	stream.indirect.gather [hbm4b:s4+s16], $0x80, s24, s16, $0xb8;
	[tilespmem:$0x1E800] =	vst v63  }
0x33: {  	p0 =	sne.s32 s23, $0x4C00;
	s23 =	sadd.s32 $0x80, s24  }
0x34: {  	[tilespmem:s18], [sflag:$0x2] =	stream.indirect.gather [hbm4b:s4+s16], $0x80, s23, s16, $0xb8;
	[tilespmem:$0x1E800] =	vst v63  }
0x35: {  	_ =	swait.ge [sflag:s19], $0x4000  }
0x36: {  	[sflag:s19] =	ssyncset.done $0x0  }
0x37: {  	s23 =	sadd.s32 $0x1400, s24;
	[sflag:s19] =	ssyncadd.s32 $0xFFFFC000  }
0x38: {  	[spmem:s2] =	stream.indirect.scatter.add.f32 [tilespmem:s17], [sflag:$0x3], $0x80, s23, s16, $0xb8;
	[tilespmem:$0x1E800] =	vst v63  }
0x39: {  	_ =	swait.ge [sflag:s14], $0x4000  }
0x3a: {  	[sflag:s14] =	ssyncset.done $0x0  }
0x3b: {  	[sflag:s14] =	ssyncadd.s32 $0xFFFFC000  }
0x3c: {  	_ =	swait.ge [sflag:s20], $0x4000  }
.Ltmp0:
0x3d: {  	[sflag:s20] =	ssyncset.done $0x0;
	(pc) =	sbr.rel @p0 .LBB2_2-.Ltmp0, $4  }
0x3e: {  	s23 =	sadd.s32 $0x1480, s24;
	[sflag:s20] =	ssyncadd.s32 $0xFFFFC000  }
0x3f: {  	[spmem:s2] =	stream.indirect.scatter.add.f32 [tilespmem:s18], [sflag:$0x3], $0x80, s23, s16, $0xb8;
	[tilespmem:$0x1E800] =	vst v63  }
0x40: {  	_ =	swait.ge [sflag:s14], $0x4000  }
0x41: {  	s23 =	smov.u32 s25;
	[sflag:s14] =	ssyncset.done $0x0  }
0x42: {  	s22 =	sshra.s32 s22, $0x2;
	[sflag:s14] =	ssyncadd.s32 $0xFFFFC000  }
0x43: {  	[tilespmem:s17], [sflag:$0x1] =	stream.indirect.gather [hbm4b:s4+s16], $0x80, s22, s16, $0xb8;
	[tilespmem:$0x1E800] =	vst v63  }
0x44: {  	s23 =	sadd.s32 $0x80, s22  }
0x45: {  	[tilespmem:s18], [sflag:$0x2] =	stream.indirect.gather [hbm4b:s4+s16], $0x80, s23, s16, $0xb8;
	[tilespmem:$0x1E800] =	vst v63  }
0x46: {  	_ =	swait.ge [sflag:s19], $0x4000  }
0x47: {  	[sflag:s19] =	ssyncset.done $0x0  }
0x48: {  	s25 =	sadd.s32 $0x1400, s22;
	[sflag:s19] =	ssyncadd.s32 $0xFFFFC000  }
0x49: {  	[spmem:s2] =	stream.indirect.scatter.add.f32 [tilespmem:s17], [sflag:$0x3], $0x80, s25, s16, $0xb8;
	[tilespmem:$0x1E800] =	vst v63  }
0x4a: {  	_ =	swait.ge [sflag:s14], $0x4000  }
0x4b: {  	[sflag:s14] =	ssyncset.done $0x0  }
0x4c: {  	[sflag:s14] =	ssyncadd.s32 $0xFFFFC000  }
0x4d: {  	_ =	swait.ge [sflag:s20], $0x4000  }
0x4e: {  	[sflag:s20] =	ssyncset.done $0x0  }
0x4f: {  	s22 =	sadd.s32 $0x1480, s22;
	[sflag:s20] =	ssyncadd.s32 $0xFFFFC000  }
0x50: {  	[spmem:s2] =	stream.indirect.scatter.add.f32 [tilespmem:s18], [sflag:$0x3], $0x80, s22, s16, $0xb8;
	[tilespmem:$0x1E800] =	vst v63  }
0x51: {  	_ =	swait.ge [sflag:s14], $0x4000  }
0x52: {  	[sflag:s14] =	ssyncset.done $0x0  }
0x53: {  	s26 =	simm.s32 $0x0;
	[sflag:s14] =	ssyncadd.s32 $0xFFFFC000  }
0x54: {  	[tilespmem:s26], [sflag:$0x3] =	stream.linear.gather [hbm4b:s9+s26], $0x1400, $0x38;
	[tilespmem:$0x1E800] =	vst v63  }
0x55: {  	_ =	swait.ge [sflag:s14], $0x1400  }
0x56: {  	[sflag:s14] =	ssyncset.done $0x0  }
0x57: {  	[sflag:s14] =	ssyncadd.s32 $0xFFFFEC00  }
0x58: {  	[tilespmem:s15], [sflag:$0x3] =	stream.linear.gather [hbm4b:s10+s26], $0x1400, $0x38;
	[tilespmem:$0x1E800] =	vst v63  }
0x59: {  	_ =	swait.ge [sflag:s14], $0x1400  }
0x5a: {  	[sflag:s14] =	ssyncset.done $0x0  }
0x5b: {  	s28 =	simm.s32 $0x0;
	[sflag:s14] =	ssyncadd.s32 $0xFFFFEC00  }
0x5c: {  	[tilespmem:s17], [sflag:$0x1] =	stream.indirect.gather [hbm4b:s4+s16], $0x80, s28, s16, $0xb8;
	[tilespmem:$0x1E800] =	vst v63  }
0x5d: {  	s29 =	simm.s32 $0x80  }
0x5e: {  	[tilespmem:s18], [sflag:$0x2] =	stream.indirect.gather [hbm4b:s4+s16], $0x80, s29, s16, $0xb8;
	[tilespmem:$0x1E800] =	vst v63  }
0x5f: {  	_ =	swait.ge [sflag:s19], $0x4000  }
0x60: {  	[sflag:s19] =	ssyncset.done $0x0  }
0x61: {  	s30 =	simm.s32 $0x1400;
	[sflag:s19] =	ssyncadd.s32 $0xFFFFC000  }
0x62: {  	[spmem:s2] =	stream.indirect.scatter.add.f32 [tilespmem:s17], [sflag:$0x3], $0x80, s30, s16, $0xb8;
	[tilespmem:$0x1E800] =	vst v63  }
0x63: {  	_ =	swait.ge [sflag:s14], $0x4000  }
0x64: {  	[sflag:s14] =	ssyncset.done $0x0  }
0x65: {  	[sflag:s14] =	ssyncadd.s32 $0xFFFFC000  }
0x66: {  	_ =	swait.ge [sflag:s20], $0x4000  }
0x67: {  	[sflag:s20] =	ssyncset.done $0x0  }
0x68: {  	s31 =	simm.s32 $0x1480;
	[sflag:s20] =	ssyncadd.s32 $0xFFFFC000  }
0x69: {  	[spmem:s2] =	stream.indirect.scatter.add.f32 [tilespmem:s18], [sflag:$0x3], $0x80, s31, s16, $0xb8;
	[tilespmem:$0x1E800] =	vst v63  }
0x6a: {  	_ =	swait.ge [sflag:s14], $0x4000  }
0x6b: {  	s23 =	simm.s32 $0x800;
	s22 =	simm.s32 $0x400;
	[sflag:s14] =	ssyncset.done $0x0  }
.LBB2_4:
0x6c: {  	s24 =	sshra.s32 s22, $0x2  }
0x6d: {  	[sflag:s14] =	ssyncadd.s32 $0xFFFFC000;
	s22 =	smov.u32 s23;
	s25 =	sadd.s32 $0x400, s23  }
0x6e: {  	[tilespmem:s17], [sflag:$0x1] =	stream.indirect.gather [hbm4b:s4+s16], $0x80, s24, s16, $0xb8;
	[tilespmem:$0x1E800] =	vst v63  }
0x6f: {  	p0 =	sne.s32 s23, $0x4C00;
	s23 =	sadd.s32 $0x80, s24  }
0x70: {  	[tilespmem:s18], [sflag:$0x2] =	stream.indirect.gather [hbm4b:s4+s16], $0x80, s23, s16, $0xb8;
	[tilespmem:$0x1E800] =	vst v63  }
0x71: {  	_ =	swait.ge [sflag:s19], $0x4000  }
0x72: {  	[sflag:s19] =	ssyncset.done $0x0  }
0x73: {  	s23 =	sadd.s32 $0x1400, s24;
	[sflag:s19] =	ssyncadd.s32 $0xFFFFC000  }
0x74: {  	[spmem:s2] =	stream.indirect.scatter.add.f32 [tilespmem:s17], [sflag:$0x3], $0x80, s23, s16, $0xb8;
	[tilespmem:$0x1E800] =	vst v63  }
0x75: {  	_ =	swait.ge [sflag:s14], $0x4000  }
0x76: {  	[sflag:s14] =	ssyncset.done $0x0  }
0x77: {  	[sflag:s14] =	ssyncadd.s32 $0xFFFFC000  }
0x78: {  	_ =	swait.ge [sflag:s20], $0x4000  }
.Ltmp1:
0x79: {  	[sflag:s20] =	ssyncset.done $0x0;
	(pc) =	sbr.rel @p0 .LBB2_4-.Ltmp1, $4  }
0x7a: {  	s23 =	sadd.s32 $0x1480, s24;
	[sflag:s20] =	ssyncadd.s32 $0xFFFFC000  }
0x7b: {  	[spmem:s2] =	stream.indirect.scatter.add.f32 [tilespmem:s18], [sflag:$0x3], $0x80, s23, s16, $0xb8;
	[tilespmem:$0x1E800] =	vst v63  }
0x7c: {  	_ =	swait.ge [sflag:s14], $0x4000  }
0x7d: {  	s23 =	smov.u32 s25;
	[sflag:s14] =	ssyncset.done $0x0  }
0x7e: {  	s22 =	sshra.s32 s22, $0x2;
	[sflag:s14] =	ssyncadd.s32 $0xFFFFC000  }
0x7f: {  	[tilespmem:s17], [sflag:$0x1] =	stream.indirect.gather [hbm4b:s4+s16], $0x80, s22, s16, $0xb8;
	[tilespmem:$0x1E800] =	vst v63  }
0x80: {  	s23 =	sadd.s32 $0x80, s22  }
0x81: {  	[tilespmem:s18], [sflag:$0x2] =	stream.indirect.gather [hbm4b:s4+s16], $0x80, s23, s16, $0xb8;
	[tilespmem:$0x1E800] =	vst v63  }
0x82: {  	_ =	swait.ge [sflag:s19], $0x4000  }
0x83: {  	[sflag:s19] =	ssyncset.done $0x0  }
0x84: {  	s31 =	sadd.s32 $0x1400, s22;
	[sflag:s19] =	ssyncadd.s32 $0xFFFFC000  }
0x85: {  	[spmem:s2] =	stream.indirect.scatter.add.f32 [tilespmem:s17], [sflag:$0x3], $0x80, s31, s16, $0xb8;
	[tilespmem:$0x1E800] =	vst v63  }
0x86: {  	_ =	swait.ge [sflag:s14], $0x4000  }
0x87: {  	[sflag:s14] =	ssyncset.done $0x0  }
0x88: {  	[sflag:s14] =	ssyncadd.s32 $0xFFFFC000  }
0x89: {  	_ =	swait.ge [sflag:s20], $0x4000  }
0x8a: {  	[sflag:s20] =	ssyncset.done $0x0  }
0x8b: {  	s22 =	sadd.s32 $0x1480, s22;
	[sflag:s20] =	ssyncadd.s32 $0xFFFFC000  }
0x8c: {  	[spmem:s2] =	stream.indirect.scatter.add.f32 [tilespmem:s18], [sflag:$0x3], $0x80, s22, s16, $0xb8;
	[tilespmem:$0x1E800] =	vst v63  }
0x8d: {  	_ =	swait.ge [sflag:s14], $0x4000  }
0x8e: {  	s21 =	sadd.s32 $0x1, s21;
	[sflag:s14] =	ssyncset.done $0x0  }
0x8f: {  	p0 =	sne.s32 s21, s12;
	[sflag:s14] =	ssyncadd.s32 $0xFFFFC000  }
.Ltmp2:
0x90: {  	[bflag:$0x0] =	sbarrier.arrive $0xFFFF;
	(pc) =	sbr.rel @p0 .LBB2_1-.Ltmp2, $4  }
0x91: {  	[hbm:s11], [sflag:s6] =	dma.local [spmem:s13], $0x2800  }
0x92: {  	_ =	swait.ge [sflag:s14], $0x2800  }
0x93: {  	[sflag:s14] =	ssyncset.done $0x0  }
0x94: {  	[sflag:s14] =	ssyncadd.s32 $0xFFFFD800  }
0x95: {  	_ =	sfence.sel $0x180000  }
0x96: {  	[bflag:$0x0] =	sbarrier.arrive $0xFFFF  }
0x97: {  	p0 =	sne.s32 s1, $0x0;
	_ =	strace $0x9000004A  }
0x98: {  	s0 =	sadd.s32 @!p0 $0x100000, s0;
	[bflag:$0x2] =	sbarrier.arrive $0xFFFF  }
0x99: {  	[sflag:s0] =	ssyncadd.tile.s32 @!p0 $0x1;
	_ =	shalt  }
.Lfunc_end2:
_tile_overlayer_lowered:
.L_overlay_start_2:
0x9a: {  	(tag) =	ssettag $0x2  }
0x9b: {  	s0 =	rddreg [dreg:$0x0];
	s2 =	stileid.u32  }
0x9c: {  	s1 =	rddreg [dreg:$0x1];
	p0 =	sne.s32 s2, $0x0  }
0x9d: {  	s3 =	rddreg [dreg:$0x2];
	[bflag:$0x3] =	sbarrier.arrive $0xFFFF;
	s2 =	simm.s32 @!p0 $0x1C03  }
0x9e: {  	[timem:s3], [sflag:s2] =	dma.local @!p0 [hbm:s0], s1  }
0x9f: {  	s0 =	simm.s32 @!p0 $0x3  }
0xa0: {  	_ =	swait.ge @!p0 [sflag:s0], s1  }
0xa1: {  	s1 =	ssub.s32 @!p0 $0x0, s1;
	[sflag:s0] =	ssyncset.done @!p0 $0x0  }
0xa2: {  	[sflag:s0] =	ssyncadd.s32 @!p0 s1  }
0xa3: {  	[bflag:$0x3] =	sbarrier.arrive $0xFFFF  }
0xa4: {  	_ =	shalt  }

// kernel: kernel.8.cloned.1.call-start
scs
__scs_entry_jumppad:
0x0: {  	(pc) =	sbr.rel $0x88, $3  }
0x1: {  	(tag) =	ssettag $0x0;
	lr =	simm.s32 $0x1  }
0x2: {  	[smem:$0x3F9B] =	sst lr;
	_ =	strace $0xD0000000  }
0x3: {  	_ = 	snop  }
0x4: {  	_ = 	snop  }
0x5: {  	_ = 	snop  }
0x6: {  	_ = 	snop  }
0x7: {  	_ = 	snop  }
__scs_overlays_trampoline_lowered:
0x8: {  	[smem:$0x3FAA] =	sst s0  }
0x9: {  	[smem:$0x3FAB] =	sst s1  }
0xa: {  	[smem:$0x3FAC] =	sst s2  }
0xb: {  	[smem:$0x3FAD] =	sst s3  }
0xc: {  	[smem:$0x3FAE] =	sst s4  }
0xd: {  	[smem:$0x3FAF] =	sst s5  }
0xe: {  	[smem:$0x3FB0] =	sst s6  }
0xf: {  	[smem:$0x3FB1] =	sst s7  }
0x10: {  	[smem:$0x3FB2] =	sst s8  }
0x11: {  	[smem:$0x3FB3] =	sst s9;
	s0 =	simm.s32 @!p0 $0x0  }
0x12: {  	s1 =	sld [smem:$0x3F99];
	s0 =	simm.s32 @p0 $0x1  }
0x13: {  	[smem:$0x3FB4] =	sst s0;
	s0 =	simm.s32 @!p1 $0x0  }
0x14: {  	s2 =	sld [smem:$0x3F98];
	s0 =	simm.s32 @p1 $0x1  }
0x15: {  	[smem:$0x3FB5] =	sst s0;
	s0 =	simm.s32 @!p2 $0x0  }
0x16: {  	s3 =	sld [smem:$0x3FDB];
	s0 =	simm.s32 @p2 $0x1  }
0x17: {  	s4 =	simm.s32 $0x1BF5;
	[smem:$0x3FB7] =	sst s0  }
0x18: {  	s0 =	sld [smem:$0x3F9A];
	_ =	swait.ge [sflag:s4], $0x0  }
0x19: {  	s7 =	sld [smem:$0x3F9B]  }
0x1a: {  	s8 =	sadd.s32 $0xFFFFE003, lr  }
0x1b: {  	s9 =	sadd.s32 $0xFFFFFEF7, lr;
	s5 =	simm.s32 $0xFFFFFFFF;
	p2 =	slt.u32 s8, $0xFFFFF086  }
0x1c: {  	p1 =	slt.u32 s9, $0xF7A;
	s5 =	simm.s32 @!p2 $0x0  }
0x1d: {  	s5 =	simm.s32 @p1 $0x1;
	p0 =	seq.s32 s7, s2  }
0x1e: {  	s7 =	smul.u32 @!p0 $0xF7A, s2;
	p2 =	seq.s32 @!p0 s5, $0x0  }
0x1f: {  	s9 =	smul.u32 $0xF7A, s1;
	s8 =	simm.s32 @!p0 $0x1BF5;
	p2 =	por !p2, p0  }
0x20: {  	[sflag:s8] =	ssyncset.s32 @!p0 $0xFFFFF086;
	s6 =	sadd.s32 @!p0 s3, s7;
	s7 =	simm.s32 @!p0 $0x108  }
0x21: {  	s3 =	sadd.s32 s3, s9;
	s6 =	sadd.s32 @!p0 $0x88, s6;
	s7 =	simm.s32 @p2 $0x1082  }
0x22: {  	[simem:s7], [sflag:s8] =	dma.local @!p0 [hbm:s6], $0xF7A  }
0x23: {  	s9 =	sor.u32 $0xD0000000, s2;
	s6 =	simm.s32 $0x108;
	_ =	swait.ge @!p0 [sflag:s8], $0x0  }
0x24: {  	s3 =	sadd.s32 $0x88, s3;
	s6 =	simm.s32 @!p1 $0x1082;
	[sflag:s4] =	ssyncset.s32 $0xFFFFF086  }
0x25: {  	[simem:s6], [sflag:s4] =	dma.local [hbm:s3], $0xF7A  }
0x26: {  	[smem:$0x3F9B] =	sst s1;
	(tag) =	ssettag s2;
	_ =	strace s9  }
0x27: {  	s1 =	sld [smem:$0x3FAB]  }
0x28: {  	s2 =	sld [smem:$0x3FAC]  }
0x29: {  	s4 =	sld [smem:$0x3FAE]  }
0x2a: {  	p0 =	seq.s32 s5, $0x0;
	s5 =	sld [smem:$0x3FAF]  }
0x2b: {  	s6 =	sld [smem:$0x3FB0]  }
0x2c: {  	s7 =	sld [smem:$0x3FB1]  }
0x2d: {  	s3 =	simm.s32 $0x108;
	s8 =	sld [smem:$0x3FB2]  }
0x2e: {  	s3 =	simm.s32 @!p0 $0x1082;
	s9 =	sld [smem:$0x3FB3]  }
0x2f: {  	lr =	sadd.s32 s0, s3;
	s0 =	sld [smem:$0x3FAA]  }
0x30: {  	s3 =	sld [smem:$0x3FAD]  }
0x31: {  	[smem:$0x3FB6] =	sst s10  }
0x32: {  	s10 =	sld [smem:$0x3FB4];
	_ =	sdelay $0x3  }
0x33: {  	p0 =	seq.s32 s10, $0x1;
	s10 =	sld [smem:$0x3FB6];
	_ =	sdelay $0x3  }
0x34: {  	[smem:$0x3FB6] =	sst s10  }
0x35: {  	s10 =	sld [smem:$0x3FB5];
	_ =	sdelay $0x3  }
0x36: {  	p1 =	seq.s32 s10, $0x1;
	s10 =	sld [smem:$0x3FB6];
	_ =	sdelay $0x3  }
0x37: {  	[smem:$0x3FB6] =	sst s10  }
0x38: {  	s10 =	sld [smem:$0x3FB7]  }
0x39: {  	_ = 	snop;
	(pc) =	sbr.ind lr, $3  }
0x3a: {  	_ = 	snop  }
0x3b: {  	_ = 	snop  }
0x3c: {  	p2 =	seq.s32 s10, $0x1;
	s10 =	sld [smem:$0x3FB6]  }
0x3d: {  	_ =	shalt  }
0x3e: {  	_ =	shalt  }
0x3f: {  	_ =	shalt  }
0x40: {  	_ =	shalt  }
0x41: {  	_ =	shalt  }
0x42: {  	_ =	shalt  }
0x43: {  	_ =	shalt  }
0x44: {  	_ =	shalt  }
0x45: {  	_ =	shalt  }
0x46: {  	_ =	shalt  }
0x47: {  	_ =	shalt  }
0x48: {  	_ =	shalt  }
0x49: {  	_ =	shalt  }
0x4a: {  	_ =	shalt  }
0x4b: {  	_ =	shalt  }
0x4c: {  	_ =	shalt  }
0x4d: {  	_ =	shalt  }
0x4e: {  	_ =	shalt  }
0x4f: {  	_ =	shalt  }
0x50: {  	_ =	shalt  }
0x51: {  	_ =	shalt  }
0x52: {  	_ =	shalt  }
0x53: {  	_ =	shalt  }
0x54: {  	_ =	shalt  }
0x55: {  	_ =	shalt  }
0x56: {  	_ =	shalt  }
0x57: {  	_ =	shalt  }
0x58: {  	_ =	shalt  }
0x59: {  	_ =	shalt  }
0x5a: {  	_ =	shalt  }
0x5b: {  	_ =	shalt  }
0x5c: {  	_ =	shalt  }
0x5d: {  	_ =	shalt  }
0x5e: {  	_ =	shalt  }
0x5f: {  	_ =	shalt  }
0x60: {  	_ =	shalt  }
0x61: {  	_ =	shalt  }
0x62: {  	_ =	shalt  }
0x63: {  	_ =	shalt  }
0x64: {  	_ =	shalt  }
0x65: {  	_ =	shalt  }
0x66: {  	_ =	shalt  }
0x67: {  	_ =	shalt  }
0x68: {  	_ =	shalt  }
0x69: {  	_ =	shalt  }
0x6a: {  	_ =	shalt  }
0x6b: {  	_ =	shalt  }
0x6c: {  	_ =	shalt  }
0x6d: {  	_ =	shalt  }
0x6e: {  	_ =	shalt  }
0x6f: {  	_ =	shalt  }
0x70: {  	_ =	shalt  }
0x71: {  	_ =	shalt  }
0x72: {  	_ =	shalt  }
0x73: {  	_ =	shalt  }
0x74: {  	_ =	shalt  }
0x75: {  	_ =	shalt  }
0x76: {  	_ =	shalt  }
0x77: {  	_ =	shalt  }
0x78: {  	_ =	shalt  }
0x79: {  	_ =	shalt  }
0x7a: {  	_ =	shalt  }
0x7b: {  	_ =	shalt  }
0x7c: {  	_ =	shalt  }
0x7d: {  	_ =	shalt  }
0x7e: {  	_ =	shalt  }
0x7f: {  	_ =	shalt  }
0x80: {  	_ =	shalt  }
0x81: {  	_ =	shalt  }
0x82: {  	_ =	shalt  }
0x83: {  	_ =	shalt  }
0x84: {  	_ =	shalt  }
0x85: {  	_ =	shalt  }
0x86: {  	_ =	shalt  }
0x87: {  	_ =	shalt  }
.Lfunc_end0:
.L_simem_size_0:
called_computation_lowered:
.L_overlay_start_0:
0x88: {  	s2 =	sld [smem:$0x3FD9]  }
0x89: {  	s3 =	sld [smem:$0x3FFE];
	_ =	sdelay $0x1  }
0x8a: {  	s1 =	srdreg.scid  }
0x8b: {  	s0 =	sand.u32 $0x1, s1  }
0x8c: {  	s17 =	sshll.u32 s0, $0xA;
	s2 =	sadd.s32 s3, s2  }
0x8d: {  	s2 =	sadd.s32 s2, s17  }
0x8e: {  	[smem:$0x3FC2] =	sst s2  }
0x8f: {  	_ = 	snop  }
0x90: {  	s2 =	sld [smem:$0x3FD0];
	(tm) =	ssettm $0x1  }
0x91: {  	s18 =	sld [smem:$0x3FFB];
	_ =	sdelay $0x3  }
0x92: {  	_ =	strace s18  }
0x93: {  	s3 =	sld [smem:$0x3FFC];
	_ =	sdelay $0x3  }
0x94: {  	_ =	strace s3  }
0x95: {  	s3 =	sld [smem:$0x3FFD];
	_ =	sdelay $0x3  }
0x96: {  	_ =	strace s3  }
0x97: {  	_ =	strace $0x8FFFFFFF  }
0x98: {  	s19 =	sld [smem:$0x3FDB];
	_ =	sdelay $0x1  }
0x99: {  	s4 =	simm.s32 $_scs_section_size  }
0x9a: {  	s5 =	simm.s32 $_size__tile_overlayer_lowered;
	s6 =	simm.s32 $_tile_overlayer_lowered  }
0x9b: {  	s22 =	simm.s32 $0x1BFF;
	s21 =	sshll.u32 s6, $0x1;
	s3 =	sadd.s32 s4, s19  }
0x9c: {  	s7 =	simm.s32 $0x0;
	s20 =	sshll.u32 s5, $0x1;
	s5 =	sadd.s32 s21, s3  }
0x9d: {  	[timem:s7], [sflag:s22] =	dma.local [hbm:s5], s20  }
0x9e: {  	_ =	swait.ge [sflag:s22], s20  }
0x9f: {  	s4 =	ssub.s32 $0x0, s20;
	[sflag:s22] =	ssyncset.done $0x0  }
0xa0: {  	[sflag:s22] =	ssyncadd.s32 s4;
	_ =	sdelay $0x1  }
0xa1: {  	s23 =	simm.s32 $0x1B8B  }
0xa2: {  	_ =	swait.ge [sflag:s23], $0x1  }
0xa3: {  	[sflag:s23] =	ssyncset.done $0x0  }
0xa4: {  	s25 =	simm.s32 $0x1B8E;
	s24 =	sld [smem:$0x3FFE];
	[sflag:s23] =	ssyncadd.s32 $0xFFFFFFFF  }
0xa5: {  	s26 =	simm.s32 $execute0_lowered;
	[smem:$0x3FD2] =	sst s25  }
0xa6: {  	s5 =	sshll.u32 s26, $0x1;
	_ =	strace $0x80000046;
	[dreg:$0x1] =	wrdreg $0xFFFFFFFF  }
0xa7: {  	s28 =	simm.s32 $_size_execute0_lowered;
	s3 =	sadd.s32 s3, s5;
	[dreg:$0x0] =	wrdreg $0x0  }
0xa8: {  	s5 =	sshll.u32 s28, $0x1;
	[dreg:$0x2] =	wrdreg s3  }
0xa9: {  	[dreg:$0x3] =	wrdreg s5  }
0xaa: {  	[dreg:$0x4] =	wrdreg $0xC0  }
0xab: {  	_ =	task [dreg:s7], $0x5FFFF  }
0xac: {  	[dreg:$0x1] =	wrdreg $0xFFFFFFFF  }
0xad: {  	[dreg:$0x0] =	wrdreg $0x60  }
0xae: {  	[dreg:$0x2] =	wrdreg s24  }
0xaf: {  	[dreg:$0x3] =	wrdreg s2  }
0xb0: {  	[dreg:$0x4] =	wrdreg $0xA8000  }
0xb1: {  	[dreg:$0x5] =	wrdreg $0x9  }
0xb2: {  	_ =	task.clear_ibuf [dreg:s7], $0x6FFFF;
	_ =	strace $0x90000046  }
0xb3: {  	s29 =	simm.s32 $0x9;
	_ =	strace $0x80000048  }
0xb4: {  	_ =	swait.ge [sflag:s29], $0x1  }
0xb5: {  	[sflag:s29] =	ssyncadd.s32 $0xFFFFFFFF  }
0xb6: {  	_ =	strace $0x90000048  }
0xb7: {  	_ =	sfence  }
0xb8: {  	s30 =	sld [smem:$0x0];
	_ =	sdelay $0x2  }
0xb9: {  	s31 =	sshll.u32 s1, $0xD;
	s1 =	sshrl.u32 s1, $0x2  }
0xba: {  	s3 =	sand.u32 $0x4000, s31;
	s1 =	sadd.s32 s1, s30  }
0xbb: {  	s0 =	sor.u32 s3, s0;
	s1 =	sshll.u32 s1, $0x11  }
0xbc: {  	s0 =	sor.u32 s1, s0  }
0xbd: {  	s0 =	sadd.s32 $0x8F2B, s0  }
0xbe: {  	[sflag:s0] =	ssyncadd.remote.s32 $0x1  }
0xbf: {  	_ =	sfence.sel $0xFFFF  }
0xc0: {  	[dreg:$0x0] =	wrdreg $0xFFFFFFFF;
	(pc) =	sbr.abs _section_cstart, $3  }
0xc1: {  	[dreg:$0x1] =	wrdreg $0xFFFFFFFF  }
0xc2: {  	_ =	task.clear_ibuf [dreg:s7], $0x2FFFF;
	_ =	strace $0x9FFFFFFF  }
0xc3: {  	(tm) =	ssettm $0x7FFFFFFF  }
tec
execute0_lowered:
.L_overlay_start_1:
0x0: {  	(tag) =	ssettag $0x1  }
0x1: {  	s5 =	rddreg [dreg:$0x0]  }
0x2: {  	s9 =	rddreg [dreg:$0x1]  }
0x3: {  	s2 =	rddreg [dreg:$0x2]  }
0x4: {  	s0 =	rddreg [dreg:$0x3];
	s3 =	simm.s32 $0x0;
	s1 =	stileid.u32  }
0x5: {  	s4 =	srdreg.scid;
	s15 =	simm.s32 $0x1400;
	s16 =	simm.s32 $0x80  }
0x6: {  	s17 =	simm.s32 $0x2800;
	s18 =	simm.s32 $0x6800;
	s19 =	simm.s32 $0x1  }
0x7: {  	s20 =	simm.s32 $0x2;
	s21 =	simm.s32 $0x0;
	[smem:$0x7FF] =	sst s3  }
0x8: {  	s6 =	smul.u32 $0x14000, s1;
	s7 =	sand.u32 $0x1, s4;
	s4 =	sadd.s32 $0x1A00, s5  }
0x9: {  	s10 =	sadd.s32 $0x29A00, s5;
	s25 =	sshll.u32 s1, $0x1;
	s13 =	smul.u32 $0x50000, s1  }
0xa: {  	s29 =	sshll.u32 s1, $0x6;
	_ =	strace $0x80000047;
	s8 =	smul.u32 $0x140000, s7  }
0xb: {  	s12 =	ssub.s32 $0x2, s7;
	s7 =	sor.u32 s7, s25;
	s11 =	sshrl.u32 s6, $0x3  }
0xc: {  	s26 =	sshrl.u32 s12, $0x1;
	s7 =	smul.u32 $0x2800, s7;
	s28 =	sshrl.u32 s13, $0x2  }
0xd: {  	s11 =	sadd.s32 s11, s5;
	s6 =	sadd.s32 s6, s8;
	s12 =	ssub.s32 s12, s26  }
0xe: {  	s13 =	sadd.s32 s28, s2;
	s6 =	sshrl.u32 s6, $0x3;
	s30 =	sshrl.u32 s7, $0x3  }
0xf: {  	s12 =	smax.u32 s12, $0x1;
	s13 =	sshrl.u32 s13, $0x3;
	s14 =	sadd.s32 s6, s5  }
0x10: {  	s5 =	sadd.s32 $0x33A00, s11;
	s6 =	sor.u32 $0x1C03, s29;
	s31 =	sadd.s32 $0x280, s30  }
0x11: {  	s7 =	sadd.s32 s9, s30;
	s8 =	sadd.s32 s10, s30;
	s9 =	sadd.s32 s9, s31  }
0x12: {  	s10 =	sadd.s32 s10, s31;
	s11 =	sadd.s32 $0x5BA00, s14;
	s14 =	simm.s32 $0x3  }
.LBB2_1:
0x13: {  	[spmem:s13], [sflag:s6] =	dma.local [hbm:s5], $0x2800  }
0x14: {  	_ =	swait.ge [sflag:s14], $0x2800  }
0x15: {  	[sflag:s14] =	ssyncset.done $0x0  }
0x16: {  	[sflag:s14] =	ssyncadd.s32 $0xFFFFD800  }
0x17: {  	[bflag:$0x0] =	sbarrier.arrive $0xFFFF  }
0x18: {  	[tilespmem:s3], [sflag:$0x3] =	stream.linear.gather [hbm4b:s7+s3], $0x1400, $0x38;
	[tilespmem:$0x1E800] =	vst v63  }
0x19: {  	_ =	swait.ge [sflag:s14], $0x1400  }
0x1a: {  	[sflag:s14] =	ssyncset.done $0x0  }
0x1b: {  	[sflag:s14] =	ssyncadd.s32 $0xFFFFEC00  }
0x1c: {  	[tilespmem:s15], [sflag:$0x3] =	stream.linear.gather [hbm4b:s8+s3], $0x1400, $0x38;
	[tilespmem:$0x1E800] =	vst v63  }
0x1d: {  	_ =	swait.ge [sflag:s14], $0x1400  }
0x1e: {  	[sflag:s14] =	ssyncset.done $0x0  }
0x1f: {  	s22 =	simm.s32 $0x0;
	[sflag:s14] =	ssyncadd.s32 $0xFFFFEC00  }
0x20: {  	[tilespmem:s17], [sflag:$0x1] =	stream.indirect.gather [hbm4b:s4+s16], $0x80, s22, s16, $0xb8;
	[tilespmem:$0x1E800] =	vst v63  }
0x21: {  	s29 =	simm.s32 $0x80  }
0x22: {  	[tilespmem:s18], [sflag:$0x2] =	stream.indirect.gather [hbm4b:s4+s16], $0x80, s29, s16, $0xb8;
	[tilespmem:$0x1E800] =	vst v63  }
0x23: {  	_ =	swait.ge [sflag:s19], $0x4000  }
0x24: {  	[sflag:s19] =	ssyncset.done $0x0  }
0x25: {  	s30 =	simm.s32 $0x1400;
	[sflag:s19] =	ssyncadd.s32 $0xFFFFC000  }
0x26: {  	[spmem:s2] =	stream.indirect.scatter.add.f32 [tilespmem:s17], [sflag:$0x3], $0x80, s30, s16, $0xb8;
	[tilespmem:$0x1E800] =	vst v63  }
0x27: {  	_ =	swait.ge [sflag:s14], $0x4000  }
0x28: {  	[sflag:s14] =	ssyncset.done $0x0  }
0x29: {  	[sflag:s14] =	ssyncadd.s32 $0xFFFFC000  }
0x2a: {  	_ =	swait.ge [sflag:s20], $0x4000  }
0x2b: {  	[sflag:s20] =	ssyncset.done $0x0  }
0x2c: {  	s31 =	simm.s32 $0x1480;
	[sflag:s20] =	ssyncadd.s32 $0xFFFFC000  }
0x2d: {  	[spmem:s2] =	stream.indirect.scatter.add.f32 [tilespmem:s18], [sflag:$0x3], $0x80, s31, s16, $0xb8;
	[tilespmem:$0x1E800] =	vst v63  }
0x2e: {  	_ =	swait.ge [sflag:s14], $0x4000  }
0x2f: {  	s23 =	simm.s32 $0x800;
	s22 =	simm.s32 $0x400;
	[sflag:s14] =	ssyncset.done $0x0  }
.LBB2_2:
0x30: {  	s24 =	sshra.s32 s22, $0x2  }
0x31: {  	[sflag:s14] =	ssyncadd.s32 $0xFFFFC000;
	s22 =	smov.u32 s23;
	s25 =	sadd.s32 $0x400, s23  }
0x32: {  	[tilespmem:s17], [sflag:$0x1] =	stream.indirect.gather [hbm4b:s4+s16], $0x80, s24, s16, $0xb8;
	[tilespmem:$0x1E800] =	vst v63  }
0x33: {  	p0 =	sne.s32 s23, $0x4C00;
	s23 =	sadd.s32 $0x80, s24  }
0x34: {  	[tilespmem:s18], [sflag:$0x2] =	stream.indirect.gather [hbm4b:s4+s16], $0x80, s23, s16, $0xb8;
	[tilespmem:$0x1E800] =	vst v63  }
0x35: {  	_ =	swait.ge [sflag:s19], $0x4000  }
0x36: {  	[sflag:s19] =	ssyncset.done $0x0  }
0x37: {  	s23 =	sadd.s32 $0x1400, s24;
	[sflag:s19] =	ssyncadd.s32 $0xFFFFC000  }
0x38: {  	[spmem:s2] =	stream.indirect.scatter.add.f32 [tilespmem:s17], [sflag:$0x3], $0x80, s23, s16, $0xb8;
	[tilespmem:$0x1E800] =	vst v63  }
0x39: {  	_ =	swait.ge [sflag:s14], $0x4000  }
0x3a: {  	[sflag:s14] =	ssyncset.done $0x0  }
0x3b: {  	[sflag:s14] =	ssyncadd.s32 $0xFFFFC000  }
0x3c: {  	_ =	swait.ge [sflag:s20], $0x4000  }
.Ltmp0:
0x3d: {  	[sflag:s20] =	ssyncset.done $0x0;
	(pc) =	sbr.rel @p0 .LBB2_2-.Ltmp0, $4  }
0x3e: {  	s23 =	sadd.s32 $0x1480, s24;
	[sflag:s20] =	ssyncadd.s32 $0xFFFFC000  }
0x3f: {  	[spmem:s2] =	stream.indirect.scatter.add.f32 [tilespmem:s18], [sflag:$0x3], $0x80, s23, s16, $0xb8;
	[tilespmem:$0x1E800] =	vst v63  }
0x40: {  	_ =	swait.ge [sflag:s14], $0x4000  }
0x41: {  	s23 =	smov.u32 s25;
	[sflag:s14] =	ssyncset.done $0x0  }
0x42: {  	s22 =	sshra.s32 s22, $0x2;
	[sflag:s14] =	ssyncadd.s32 $0xFFFFC000  }
0x43: {  	[tilespmem:s17], [sflag:$0x1] =	stream.indirect.gather [hbm4b:s4+s16], $0x80, s22, s16, $0xb8;
	[tilespmem:$0x1E800] =	vst v63  }
0x44: {  	s23 =	sadd.s32 $0x80, s22  }
0x45: {  	[tilespmem:s18], [sflag:$0x2] =	stream.indirect.gather [hbm4b:s4+s16], $0x80, s23, s16, $0xb8;
	[tilespmem:$0x1E800] =	vst v63  }
0x46: {  	_ =	swait.ge [sflag:s19], $0x4000  }
0x47: {  	[sflag:s19] =	ssyncset.done $0x0  }
0x48: {  	s25 =	sadd.s32 $0x1400, s22;
	[sflag:s19] =	ssyncadd.s32 $0xFFFFC000  }
0x49: {  	[spmem:s2] =	stream.indirect.scatter.add.f32 [tilespmem:s17], [sflag:$0x3], $0x80, s25, s16, $0xb8;
	[tilespmem:$0x1E800] =	vst v63  }
0x4a: {  	_ =	swait.ge [sflag:s14], $0x4000  }
0x4b: {  	[sflag:s14] =	ssyncset.done $0x0  }
0x4c: {  	[sflag:s14] =	ssyncadd.s32 $0xFFFFC000  }
0x4d: {  	_ =	swait.ge [sflag:s20], $0x4000  }
0x4e: {  	[sflag:s20] =	ssyncset.done $0x0  }
0x4f: {  	s22 =	sadd.s32 $0x1480, s22;
	[sflag:s20] =	ssyncadd.s32 $0xFFFFC000  }
0x50: {  	[spmem:s2] =	stream.indirect.scatter.add.f32 [tilespmem:s18], [sflag:$0x3], $0x80, s22, s16, $0xb8;
	[tilespmem:$0x1E800] =	vst v63  }
0x51: {  	_ =	swait.ge [sflag:s14], $0x4000  }
0x52: {  	[sflag:s14] =	ssyncset.done $0x0  }
0x53: {  	s26 =	simm.s32 $0x0;
	[sflag:s14] =	ssyncadd.s32 $0xFFFFC000  }
0x54: {  	[tilespmem:s26], [sflag:$0x3] =	stream.linear.gather [hbm4b:s9+s26], $0x1400, $0x38;
	[tilespmem:$0x1E800] =	vst v63  }
0x55: {  	_ =	swait.ge [sflag:s14], $0x1400  }
0x56: {  	[sflag:s14] =	ssyncset.done $0x0  }
0x57: {  	[sflag:s14] =	ssyncadd.s32 $0xFFFFEC00  }
0x58: {  	[tilespmem:s15], [sflag:$0x3] =	stream.linear.gather [hbm4b:s10+s26], $0x1400, $0x38;
	[tilespmem:$0x1E800] =	vst v63  }
0x59: {  	_ =	swait.ge [sflag:s14], $0x1400  }
0x5a: {  	[sflag:s14] =	ssyncset.done $0x0  }
0x5b: {  	s28 =	simm.s32 $0x0;
	[sflag:s14] =	ssyncadd.s32 $0xFFFFEC00  }
0x5c: {  	[tilespmem:s17], [sflag:$0x1] =	stream.indirect.gather [hbm4b:s4+s16], $0x80, s28, s16, $0xb8;
	[tilespmem:$0x1E800] =	vst v63  }
0x5d: {  	s29 =	simm.s32 $0x80  }
0x5e: {  	[tilespmem:s18], [sflag:$0x2] =	stream.indirect.gather [hbm4b:s4+s16], $0x80, s29, s16, $0xb8;
	[tilespmem:$0x1E800] =	vst v63  }
0x5f: {  	_ =	swait.ge [sflag:s19], $0x4000  }
0x60: {  	[sflag:s19] =	ssyncset.done $0x0  }
0x61: {  	s30 =	simm.s32 $0x1400;
	[sflag:s19] =	ssyncadd.s32 $0xFFFFC000  }
0x62: {  	[spmem:s2] =	stream.indirect.scatter.add.f32 [tilespmem:s17], [sflag:$0x3], $0x80, s30, s16, $0xb8;
	[tilespmem:$0x1E800] =	vst v63  }
0x63: {  	_ =	swait.ge [sflag:s14], $0x4000  }
0x64: {  	[sflag:s14] =	ssyncset.done $0x0  }
0x65: {  	[sflag:s14] =	ssyncadd.s32 $0xFFFFC000  }
0x66: {  	_ =	swait.ge [sflag:s20], $0x4000  }
0x67: {  	[sflag:s20] =	ssyncset.done $0x0  }
0x68: {  	s31 =	simm.s32 $0x1480;
	[sflag:s20] =	ssyncadd.s32 $0xFFFFC000  }
0x69: {  	[spmem:s2] =	stream.indirect.scatter.add.f32 [tilespmem:s18], [sflag:$0x3], $0x80, s31, s16, $0xb8;
	[tilespmem:$0x1E800] =	vst v63  }
0x6a: {  	_ =	swait.ge [sflag:s14], $0x4000  }
0x6b: {  	s23 =	simm.s32 $0x800;
	s22 =	simm.s32 $0x400;
	[sflag:s14] =	ssyncset.done $0x0  }
.LBB2_4:
0x6c: {  	s24 =	sshra.s32 s22, $0x2  }
0x6d: {  	[sflag:s14] =	ssyncadd.s32 $0xFFFFC000;
	s22 =	smov.u32 s23;
	s25 =	sadd.s32 $0x400, s23  }
0x6e: {  	[tilespmem:s17], [sflag:$0x1] =	stream.indirect.gather [hbm4b:s4+s16], $0x80, s24, s16, $0xb8;
	[tilespmem:$0x1E800] =	vst v63  }
0x6f: {  	p0 =	sne.s32 s23, $0x4C00;
	s23 =	sadd.s32 $0x80, s24  }
0x70: {  	[tilespmem:s18], [sflag:$0x2] =	stream.indirect.gather [hbm4b:s4+s16], $0x80, s23, s16, $0xb8;
	[tilespmem:$0x1E800] =	vst v63  }
0x71: {  	_ =	swait.ge [sflag:s19], $0x4000  }
0x72: {  	[sflag:s19] =	ssyncset.done $0x0  }
0x73: {  	s23 =	sadd.s32 $0x1400, s24;
	[sflag:s19] =	ssyncadd.s32 $0xFFFFC000  }
0x74: {  	[spmem:s2] =	stream.indirect.scatter.add.f32 [tilespmem:s17], [sflag:$0x3], $0x80, s23, s16, $0xb8;
	[tilespmem:$0x1E800] =	vst v63  }
0x75: {  	_ =	swait.ge [sflag:s14], $0x4000  }
0x76: {  	[sflag:s14] =	ssyncset.done $0x0  }
0x77: {  	[sflag:s14] =	ssyncadd.s32 $0xFFFFC000  }
0x78: {  	_ =	swait.ge [sflag:s20], $0x4000  }
.Ltmp1:
0x79: {  	[sflag:s20] =	ssyncset.done $0x0;
	(pc) =	sbr.rel @p0 .LBB2_4-.Ltmp1, $4  }
0x7a: {  	s23 =	sadd.s32 $0x1480, s24;
	[sflag:s20] =	ssyncadd.s32 $0xFFFFC000  }
0x7b: {  	[spmem:s2] =	stream.indirect.scatter.add.f32 [tilespmem:s18], [sflag:$0x3], $0x80, s23, s16, $0xb8;
	[tilespmem:$0x1E800] =	vst v63  }
0x7c: {  	_ =	swait.ge [sflag:s14], $0x4000  }
0x7d: {  	s23 =	smov.u32 s25;
	[sflag:s14] =	ssyncset.done $0x0  }
0x7e: {  	s22 =	sshra.s32 s22, $0x2;
	[sflag:s14] =	ssyncadd.s32 $0xFFFFC000  }
0x7f: {  	[tilespmem:s17], [sflag:$0x1] =	stream.indirect.gather [hbm4b:s4+s16], $0x80, s22, s16, $0xb8;
	[tilespmem:$0x1E800] =	vst v63  }
0x80: {  	s23 =	sadd.s32 $0x80, s22  }
0x81: {  	[tilespmem:s18], [sflag:$0x2] =	stream.indirect.gather [hbm4b:s4+s16], $0x80, s23, s16, $0xb8;
	[tilespmem:$0x1E800] =	vst v63  }
0x82: {  	_ =	swait.ge [sflag:s19], $0x4000  }
0x83: {  	[sflag:s19] =	ssyncset.done $0x0  }
0x84: {  	s31 =	sadd.s32 $0x1400, s22;
	[sflag:s19] =	ssyncadd.s32 $0xFFFFC000  }
0x85: {  	[spmem:s2] =	stream.indirect.scatter.add.f32 [tilespmem:s17], [sflag:$0x3], $0x80, s31, s16, $0xb8;
	[tilespmem:$0x1E800] =	vst v63  }
0x86: {  	_ =	swait.ge [sflag:s14], $0x4000  }
0x87: {  	[sflag:s14] =	ssyncset.done $0x0  }
0x88: {  	[sflag:s14] =	ssyncadd.s32 $0xFFFFC000  }
0x89: {  	_ =	swait.ge [sflag:s20], $0x4000  }
0x8a: {  	[sflag:s20] =	ssyncset.done $0x0  }
0x8b: {  	s22 =	sadd.s32 $0x1480, s22;
	[sflag:s20] =	ssyncadd.s32 $0xFFFFC000  }
0x8c: {  	[spmem:s2] =	stream.indirect.scatter.add.f32 [tilespmem:s18], [sflag:$0x3], $0x80, s22, s16, $0xb8;
	[tilespmem:$0x1E800] =	vst v63  }
0x8d: {  	_ =	swait.ge [sflag:s14], $0x4000  }
0x8e: {  	s21 =	sadd.s32 $0x1, s21;
	[sflag:s14] =	ssyncset.done $0x0  }
0x8f: {  	p0 =	sne.s32 s21, s12;
	[sflag:s14] =	ssyncadd.s32 $0xFFFFC000  }
.Ltmp2:
0x90: {  	[bflag:$0x0] =	sbarrier.arrive $0xFFFF;
	(pc) =	sbr.rel @p0 .LBB2_1-.Ltmp2, $4  }
0x91: {  	[hbm:s11], [sflag:s6] =	dma.local [spmem:s13], $0x2800  }
0x92: {  	_ =	swait.ge [sflag:s14], $0x2800  }
0x93: {  	[sflag:s14] =	ssyncset.done $0x0  }
0x94: {  	[sflag:s14] =	ssyncadd.s32 $0xFFFFD800  }
0x95: {  	_ =	sfence.sel $0x180000  }
0x96: {  	[bflag:$0x0] =	sbarrier.arrive $0xFFFF  }
0x97: {  	p0 =	sne.s32 s1, $0x0;
	_ =	strace $0x90000047  }
0x98: {  	s0 =	sadd.s32 @!p0 $0x100000, s0;
	[bflag:$0x2] =	sbarrier.arrive $0xFFFF  }
0x99: {  	[sflag:s0] =	ssyncadd.tile.s32 @!p0 $0x1;
	_ =	shalt  }
.Lfunc_end2:
_tile_overlayer_lowered:
.L_overlay_start_2:
0x9a: {  	(tag) =	ssettag $0x2  }
0x9b: {  	s0 =	rddreg [dreg:$0x0];
	s2 =	stileid.u32  }
0x9c: {  	s1 =	rddreg [dreg:$0x1];
	p0 =	sne.s32 s2, $0x0  }
0x9d: {  	s3 =	rddreg [dreg:$0x2];
	[bflag:$0x3] =	sbarrier.arrive $0xFFFF;
	s2 =	simm.s32 @!p0 $0x1C03  }
0x9e: {  	[timem:s3], [sflag:s2] =	dma.local @!p0 [hbm:s0], s1  }
0x9f: {  	s0 =	simm.s32 @!p0 $0x3  }
0xa0: {  	_ =	swait.ge @!p0 [sflag:s0], s1  }
0xa1: {  	s1 =	ssub.s32 @!p0 $0x0, s1;
	[sflag:s0] =	ssyncset.done @!p0 $0x0  }
0xa2: {  	[sflag:s0] =	ssyncadd.s32 @!p0 s1  }
0xa3: {  	[bflag:$0x3] =	sbarrier.arrive $0xFFFF  }
0xa4: {  	_ =	shalt  }

</sc_bundles>
